<compile_context>
chip_gen: v7x
topology: tpu7x:2x2x1
jax: 0.10.2.dev20260603
libtpu: 0.0.44.dev20260713+nightly
codegen_flags: <defaults>
</compile_context>

<pallas_src>
import functools

import jax
import jax.numpy as jnp
from jax import lax
from jax.experimental import pallas as pl
from jax.experimental.pallas import tpu as pltpu
from jax.experimental.pallas import tpu_sc as plsc

ROWS, COLS = 16384, 200
NW = 32
W = ROWS // NW
TR = COLS // 8
GPR = W // 16

_mesh = plsc.VectorSubcoreMesh(core_axis_name="c", subcore_axis_name="s")


@functools.partial(
    pl.kernel,
    out_type=jax.ShapeDtypeStruct((3, COLS, ROWS), jnp.float32),
    mesh=_mesh,
    scratch_types=[
        pltpu.VMEM((48,), jnp.float32),
        pltpu.VMEM((8, W), jnp.int32),
        pltpu.VMEM((3, 8, W), jnp.float32),
    ],
    compiler_params=pltpu.CompilerParams(
        needs_layout_passes=False, use_tc_tiling_on_sc=True
    ),
)
def _emb_lookup(xt_hbm, t_hbm, out_hbm, t_v, idx_v, out_v):
    wid = lax.axis_index("s") * 2 + lax.axis_index("c")
    c0 = wid * W

    pltpu.sync_copy(t_hbm, t_v)

    def row_body(r, carry):
        pltpu.sync_copy(xt_hbm.at[pl.ds(r * 8, 8), pl.ds(c0, W)], idx_v)

        @plsc.parallel_loop(0, GPR, 1, unroll=2)
        def group_body(g):
            col = g * 16
            for s in range(8):
                iv = idx_v[s, pl.ds(col, 16)]
                for k in range(3):
                    tk = plsc.load_gather(t_v.at[pl.ds(k * 16, 16)], [iv])
                    out_v[k, s, pl.ds(col, 16)] = tk

        for k in range(3):
            pltpu.sync_copy(
                out_v.at[k], out_hbm.at[k, pl.ds(r * 8, 8), pl.ds(c0, W)]
            )
        return carry

    lax.fori_loop(0, TR, row_body, 0)


def kernel(x, table):
    tp = jnp.pad(table.T, ((0, 0), (0, 6))).reshape(-1)
    out = _emb_lookup(x.T, tp)
    return out.transpose(2, 1, 0)

# --- scband reference (transcript-rebuilt; emitter-appended) ---
"""Pipeline reference for scband-embedding-28054726378173 (READ-ONLY COPY).

The authoritative reference and input builder live on the scoring server;
editing this copy changes nothing except your own understanding.
"""

import jax, jax.numpy as jnp
import numpy as np

def setup_inputs(seed: int = 0) -> dict:
    key = jax.random.key(seed)
    k1, k2 = jax.random.split(key)
    x = jax.random.randint(k1, (16384, 200), 0, 10, dtype=jnp.int64 if jax.config.jax_enable_x64 else jnp.int32)
    table = jax.random.normal(k2, (10, 3), dtype=jnp.float32)
    return {"x": x, "table": table}

def reference(x, table):
    # torch.nn.Embedding forward: gather rows of the weight table by index
    return jnp.take(table, x, axis=0)

if __name__ == "__main__":
    import jax
    _d = setup_inputs()
    print(jax.jit(kernel)(*tuple(_d.values())))

</pallas_src>

<mosaic_0001>
#map = affine_map<(d0, d1) -> (0, 0)>
#map1 = affine_map<(d0, d1) -> (0)>
#map2 = affine_map<(d0, d1) -> (0, 0, 0)>
module attributes {stable_mosaic.version = 14 : i64} {
  func.func @_emb_lookup(%arg0: i32, %arg1: i32, %arg2: memref<200x16384xi32, #tpu.memory_space<hbm>>, %arg3: memref<48xf32, #tpu.memory_space<hbm>>, %arg4: memref<3x200x16384xf32, #tpu.memory_space<hbm>>, %arg5: memref<48xf32, #tpu.memory_space<vmem>>, %arg6: memref<8x512xi32, #tpu.memory_space<vmem>>, %arg7: memref<3x8x512xf32, #tpu.memory_space<vmem>>) attributes {dimension_semantics = [#tpu.dimension_semantics<core_parallel>, #tpu.dimension_semantics<subcore_parallel>], iteration_bounds = array<i64: 2, 16>, scalar_prefetch = 0 : i64, scratch_operands = 3 : i64, tpu.core_type = #tpu.core_type<sc_vector_subcore>, window_params = [{transform_indices = #map}, {transform_indices = #map1}, {transform_indices = #map2}]} {
    %mul3A = arith.constant 2 : i32
    %mul3A_0 = arith.muli %arg1, %mul3A : i32
    %add3A = arith.addi %mul3A_0, %arg0 : i32
    %mul3A_1 = arith.constant 512 : i32
    %mul3A_2 = arith.muli %add3A, %mul3A_1 : i32
    "tpu.region"() ({
      %run_scoped3A = tpu.sem_alloc : memref<!tpu.dma_semaphore, #tpu.memory_space<semaphore_mem>>
      tpu.enqueue_dma source(%arg3 : memref<48xf32, #tpu.memory_space<hbm>>) target(%arg5 : memref<48xf32, #tpu.memory_space<vmem>>) target_semaphore(%run_scoped3A : memref<!tpu.dma_semaphore, #tpu.memory_space<semaphore_mem>>)
      tpu.wait_dma2 semaphore(%run_scoped3A : memref<!tpu.dma_semaphore, #tpu.memory_space<semaphore_mem>>) src(%arg3 : memref<48xf32, #tpu.memory_space<hbm>>) dst(%arg5 : memref<48xf32, #tpu.memory_space<vmem>>)
      tpu.yield
    }) : () -> ()
    %scan3A = arith.constant 0 : i32
    %scan3A_3 = arith.constant 0 : i32
    %scan3A_4 = arith.constant 25 : i32
    %scan3A_5 = arith.addi %scan3A_3, %scan3A_4 : i32
    %scan3A_6 = arith.constant 1 : i32
    scf.for %scan3A_8 = %scan3A_3 to %scan3A_5 step %scan3A_6  : i32 {
      %mul3A_9 = arith.constant 8 : i32
      %mul3A_10 = arith.muli %scan3A_8, %mul3A_9 : i32
      "tpu.region"() ({
        %run_scoped3A_24 = tpu.sem_alloc : memref<!tpu.dma_semaphore, #tpu.memory_space<semaphore_mem>>
        %dma_start3A = tpu.memref_slice %arg2[%mul3A_10, %mul3A_2] : memref<200x16384xi32, #tpu.memory_space<hbm>> -> memref<8x512xi32, #tpu.memory_space<hbm>>
        %dma_start3A_25 = tpu.memref_slice %arg2[%mul3A_10, %mul3A_2] : memref<200x16384xi32, #tpu.memory_space<hbm>> -> memref<8x512xi32, #tpu.memory_space<hbm>>
        tpu.enqueue_dma source(%dma_start3A_25 : memref<8x512xi32, #tpu.memory_space<hbm>>) target(%arg6 : memref<8x512xi32, #tpu.memory_space<vmem>>) target_semaphore(%run_scoped3A_24 : memref<!tpu.dma_semaphore, #tpu.memory_space<semaphore_mem>>)
        %dma_wait3A = tpu.memref_slice %arg2[%mul3A_10, %mul3A_2] : memref<200x16384xi32, #tpu.memory_space<hbm>> -> memref<8x512xi32, #tpu.memory_space<hbm>>
        %dma_wait3A_26 = tpu.memref_slice %arg2[%mul3A_10, %mul3A_2] : memref<200x16384xi32, #tpu.memory_space<hbm>> -> memref<8x512xi32, #tpu.memory_space<hbm>>
        tpu.wait_dma2 semaphore(%run_scoped3A_24 : memref<!tpu.dma_semaphore, #tpu.memory_space<semaphore_mem>>) src(%dma_wait3A_26 : memref<8x512xi32, #tpu.memory_space<hbm>>) dst(%arg6 : memref<8x512xi32, #tpu.memory_space<vmem>>)
        tpu.yield
      }) : () -> ()
      %parallel_loop3A = arith.constant 0 : i32
      %parallel_loop3A_11 = arith.constant 32 : i32
      %parallel_loop3A_12 = arith.constant 1 : i32
      scf.for %parallel_loop3A_24 = %parallel_loop3A to %parallel_loop3A_11 step %parallel_loop3A_12  : i32 {
        %parallel_loop3A_25 = arith.constant 16 : i32
        %parallel_loop3A_26 = arith.muli %parallel_loop3A_24, %parallel_loop3A_25 : i32
        %parallel_loop3A_27 = arith.constant 0 : i32
        %parallel_loop3A_28 = arith.index_cast %parallel_loop3A_27 : i32 to index
        %parallel_loop3A_29 = arith.index_cast %parallel_loop3A_26 : i32 to index
        %parallel_loop3A_30 = tpu.vector_load %arg6[%parallel_loop3A_28, %parallel_loop3A_29] {strides = array<i32>} : memref<8x512xi32, #tpu.memory_space<vmem>>, vector<16xi32>,
        %parallel_loop3A_31 = arith.constant 0 : i32
        %parallel_loop3A_32 = tpu.memref_slice %arg5[%parallel_loop3A_31] : memref<48xf32, #tpu.memory_space<vmem>> -> memref<16xf32, #tpu.memory_space<vmem>>
        %parallel_loop3A_33 = tpu.vector_load_idx %parallel_loop3A_32[%parallel_loop3A_30] : memref<16xf32, #tpu.memory_space<vmem>>[vector<16xi32>], vector<16xf32>,
        %parallel_loop3A_34 = arith.constant 0 : i32
        %parallel_loop3A_35 = arith.constant 0 : i32
        %parallel_loop3A_36 = arith.index_cast %parallel_loop3A_34 : i32 to index
        %parallel_loop3A_37 = arith.index_cast %parallel_loop3A_35 : i32 to index
        %parallel_loop3A_38 = arith.index_cast %parallel_loop3A_26 : i32 to index
        %parallel_loop3A_39 = tpu.vector_load %arg7[%parallel_loop3A_36, %parallel_loop3A_37, %parallel_loop3A_38] {strides = array<i32>} : memref<3x8x512xf32, #tpu.memory_space<vmem>>, vector<16xf32>,
        tpu.vector_store %arg7[%parallel_loop3A_36, %parallel_loop3A_37, %parallel_loop3A_38], %parallel_loop3A_33 {strides = array<i32>} : memref<3x8x512xf32, #tpu.memory_space<vmem>>, vector<16xf32>,
        %parallel_loop3A_40 = arith.constant 16 : i32
        %parallel_loop3A_41 = tpu.memref_slice %arg5[%parallel_loop3A_40] : memref<48xf32, #tpu.memory_space<vmem>> -> memref<16xf32, #tpu.memory_space<vmem>>
        %parallel_loop3A_42 = tpu.vector_load_idx %parallel_loop3A_41[%parallel_loop3A_30] : memref<16xf32, #tpu.memory_space<vmem>>[vector<16xi32>], vector<16xf32>,
        %parallel_loop3A_43 = arith.constant 1 : i32
        %parallel_loop3A_44 = arith.constant 0 : i32
        %parallel_loop3A_45 = arith.index_cast %parallel_loop3A_43 : i32 to index
        %parallel_loop3A_46 = arith.index_cast %parallel_loop3A_44 : i32 to index
        %parallel_loop3A_47 = arith.index_cast %parallel_loop3A_26 : i32 to index
        %parallel_loop3A_48 = tpu.vector_load %arg7[%parallel_loop3A_45, %parallel_loop3A_46, %parallel_loop3A_47] {strides = array<i32>} : memref<3x8x512xf32, #tpu.memory_space<vmem>>, vector<16xf32>,
        tpu.vector_store %arg7[%parallel_loop3A_45, %parallel_loop3A_46, %parallel_loop3A_47], %parallel_loop3A_42 {strides = array<i32>} : memref<3x8x512xf32, #tpu.memory_space<vmem>>, vector<16xf32>,
        %parallel_loop3A_49 = arith.constant 32 : i32
        %parallel_loop3A_50 = tpu.memref_slice %arg5[%parallel_loop3A_49] : memref<48xf32, #tpu.memory_space<vmem>> -> memref<16xf32, #tpu.memory_space<vmem>>
        %parallel_loop3A_51 = tpu.vector_load_idx %parallel_loop3A_50[%parallel_loop3A_30] : memref<16xf32, #tpu.memory_space<vmem>>[vector<16xi32>], vector<16xf32>,
        %parallel_loop3A_52 = arith.constant 2 : i32
        %parallel_loop3A_53 = arith.constant 0 : i32
        %parallel_loop3A_54 = arith.index_cast %parallel_loop3A_52 : i32 to index
        %parallel_loop3A_55 = arith.index_cast %parallel_loop3A_53 : i32 to index
        %parallel_loop3A_56 = arith.index_cast %parallel_loop3A_26 : i32 to index
        %parallel_loop3A_57 = tpu.vector_load %arg7[%parallel_loop3A_54, %parallel_loop3A_55, %parallel_loop3A_56] {strides = array<i32>} : memref<3x8x512xf32, #tpu.memory_space<vmem>>, vector<16xf32>,
        tpu.vector_store %arg7[%parallel_loop3A_54, %parallel_loop3A_55, %parallel_loop3A_56], %parallel_loop3A_51 {strides = array<i32>} : memref<3x8x512xf32, #tpu.memory_space<vmem>>, vector<16xf32>,
        %parallel_loop3A_58 = arith.constant 1 : i32
        %parallel_loop3A_59 = arith.index_cast %parallel_loop3A_58 : i32 to index
        %parallel_loop3A_60 = arith.index_cast %parallel_loop3A_26 : i32 to index
        %parallel_loop3A_61 = tpu.vector_load %arg6[%parallel_loop3A_59, %parallel_loop3A_60] {strides = array<i32>} : memref<8x512xi32, #tpu.memory_space<vmem>>, vector<16xi32>,
        %parallel_loop3A_62 = arith.constant 0 : i32
        %parallel_loop3A_63 = tpu.memref_slice %arg5[%parallel_loop3A_62] : memref<48xf32, #tpu.memory_space<vmem>> -> memref<16xf32, #tpu.memory_space<vmem>>
        %parallel_loop3A_64 = tpu.vector_load_idx %parallel_loop3A_63[%parallel_loop3A_61] : memref<16xf32, #tpu.memory_space<vmem>>[vector<16xi32>], vector<16xf32>,
        %parallel_loop3A_65 = arith.constant 0 : i32
        %parallel_loop3A_66 = arith.constant 1 : i32
        %parallel_loop3A_67 = arith.index_cast %parallel_loop3A_65 : i32 to index
        %parallel_loop3A_68 = arith.index_cast %parallel_loop3A_66 : i32 to index
        %parallel_loop3A_69 = arith.index_cast %parallel_loop3A_26 : i32 to index
        %parallel_loop3A_70 = tpu.vector_load %arg7[%parallel_loop3A_67, %parallel_loop3A_68, %parallel_loop3A_69] {strides = array<i32>} : memref<3x8x512xf32, #tpu.memory_space<vmem>>, vector<16xf32>,
        tpu.vector_store %arg7[%parallel_loop3A_67, %parallel_loop3A_68, %parallel_loop3A_69], %parallel_loop3A_64 {strides = array<i32>} : memref<3x8x512xf32, #tpu.memory_space<vmem>>, vector<16xf32>,
        %parallel_loop3A_71 = arith.constant 16 : i32
        %parallel_loop3A_72 = tpu.memref_slice %arg5[%parallel_loop3A_71] : memref<48xf32, #tpu.memory_space<vmem>> -> memref<16xf32, #tpu.memory_space<vmem>>
        %parallel_loop3A_73 = tpu.vector_load_idx %parallel_loop3A_72[%parallel_loop3A_61] : memref<16xf32, #tpu.memory_space<vmem>>[vector<16xi32>], vector<16xf32>,
        %parallel_loop3A_74 = arith.constant 1 : i32
        %parallel_loop3A_75 = arith.constant 1 : i32
        %parallel_loop3A_76 = arith.index_cast %parallel_loop3A_74 : i32 to index
        %parallel_loop3A_77 = arith.index_cast %parallel_loop3A_75 : i32 to index
        %parallel_loop3A_78 = arith.index_cast %parallel_loop3A_26 : i32 to index
        %parallel_loop3A_79 = tpu.vector_load %arg7[%parallel_loop3A_76, %parallel_loop3A_77, %parallel_loop3A_78] {strides = array<i32>} : memref<3x8x512xf32, #tpu.memory_space<vmem>>, vector<16xf32>,
        tpu.vector_store %arg7[%parallel_loop3A_76, %parallel_loop3A_77, %parallel_loop3A_78], %parallel_loop3A_73 {strides = array<i32>} : memref<3x8x512xf32, #tpu.memory_space<vmem>>, vector<16xf32>,
        %parallel_loop3A_80 = arith.constant 32 : i32
        %parallel_loop3A_81 = tpu.memref_slice %arg5[%parallel_loop3A_80] : memref<48xf32, #tpu.memory_space<vmem>> -> memref<16xf32, #tpu.memory_space<vmem>>
        %parallel_loop3A_82 = tpu.vector_load_idx %parallel_loop3A_81[%parallel_loop3A_61] : memref<16xf32, #tpu.memory_space<vmem>>[vector<16xi32>], vector<16xf32>,
        %parallel_loop3A_83 = arith.constant 2 : i32
        %parallel_loop3A_84 = arith.constant 1 : i32
        %parallel_loop3A_85 = arith.index_cast %parallel_loop3A_83 : i32 to index
        %parallel_loop3A_86 = arith.index_cast %parallel_loop3A_84 : i32 to index
        %parallel_loop3A_87 = arith.index_cast %parallel_loop3A_26 : i32 to index
        %parallel_loop3A_88 = tpu.vector_load %arg7[%parallel_loop3A_85, %parallel_loop3A_86, %parallel_loop3A_87] {strides = array<i32>} : memref<3x8x512xf32, #tpu.memory_space<vmem>>, vector<16xf32>,
        tpu.vector_store %arg7[%parallel_loop3A_85, %parallel_loop3A_86, %parallel_loop3A_87], %parallel_loop3A_82 {strides = array<i32>} : memref<3x8x512xf32, #tpu.memory_space<vmem>>, vector<16xf32>,
        %parallel_loop3A_89 = arith.constant 2 : i32
        %parallel_loop3A_90 = arith.index_cast %parallel_loop3A_89 : i32 to index
        %parallel_loop3A_91 = arith.index_cast %parallel_loop3A_26 : i32 to index
        %parallel_loop3A_92 = tpu.vector_load %arg6[%parallel_loop3A_90, %parallel_loop3A_91] {strides = array<i32>} : memref<8x512xi32, #tpu.memory_space<vmem>>, vector<16xi32>,
        %parallel_loop3A_93 = arith.constant 0 : i32
        %parallel_loop3A_94 = tpu.memref_slice %arg5[%parallel_loop3A_93] : memref<48xf32, #tpu.memory_space<vmem>> -> memref<16xf32, #tpu.memory_space<vmem>>
        %parallel_loop3A_95 = tpu.vector_load_idx %parallel_loop3A_94[%parallel_loop3A_92] : memref<16xf32, #tpu.memory_space<vmem>>[vector<16xi32>], vector<16xf32>,
        %parallel_loop3A_96 = arith.constant 0 : i32
        %parallel_loop3A_97 = arith.constant 2 : i32
        %parallel_loop3A_98 = arith.index_cast %parallel_loop3A_96 : i32 to index
        %parallel_loop3A_99 = arith.index_cast %parallel_loop3A_97 : i32 to index
        %parallel_loop3A_100 = arith.index_cast %parallel_loop3A_26 : i32 to index
        %parallel_loop3A_101 = tpu.vector_load %arg7[%parallel_loop3A_98, %parallel_loop3A_99, %parallel_loop3A_100] {strides = array<i32>} : memref<3x8x512xf32, #tpu.memory_space<vmem>>, vector<16xf32>,
        tpu.vector_store %arg7[%parallel_loop3A_98, %parallel_loop3A_99, %parallel_loop3A_100], %parallel_loop3A_95 {strides = array<i32>} : memref<3x8x512xf32, #tpu.memory_space<vmem>>, vector<16xf32>,
        %parallel_loop3A_102 = arith.constant 16 : i32
        %parallel_loop3A_103 = tpu.memref_slice %arg5[%parallel_loop3A_102] : memref<48xf32, #tpu.memory_space<vmem>> -> memref<16xf32, #tpu.memory_space<vmem>>
        %parallel_loop3A_104 = tpu.vector_load_idx %parallel_loop3A_103[%parallel_loop3A_92] : memref<16xf32, #tpu.memory_space<vmem>>[vector<16xi32>], vector<16xf32>,
        %parallel_loop3A_105 = arith.constant 1 : i32
        %parallel_loop3A_106 = arith.constant 2 : i32
        %parallel_loop3A_107 = arith.index_cast %parallel_loop3A_105 : i32 to index
        %parallel_loop3A_108 = arith.index_cast %parallel_loop3A_106 : i32 to index
        %parallel_loop3A_109 = arith.index_cast %parallel_loop3A_26 : i32 to index
        %parallel_loop3A_110 = tpu.vector_load %arg7[%parallel_loop3A_107, %parallel_loop3A_108, %parallel_loop3A_109] {strides = array<i32>} : memref<3x8x512xf32, #tpu.memory_space<vmem>>, vector<16xf32>,
        tpu.vector_store %arg7[%parallel_loop3A_107, %parallel_loop3A_108, %parallel_loop3A_109], %parallel_loop3A_104 {strides = array<i32>} : memref<3x8x512xf32, #tpu.memory_space<vmem>>, vector<16xf32>,
        %parallel_loop3A_111 = arith.constant 32 : i32
        %parallel_loop3A_112 = tpu.memref_slice %arg5[%parallel_loop3A_111] : memref<48xf32, #tpu.memory_space<vmem>> -> memref<16xf32, #tpu.memory_space<vmem>>
        %parallel_loop3A_113 = tpu.vector_load_idx %parallel_loop3A_112[%parallel_loop3A_92] : memref<16xf32, #tpu.memory_space<vmem>>[vector<16xi32>], vector<16xf32>,
        %parallel_loop3A_114 = arith.constant 2 : i32
        %parallel_loop3A_115 = arith.constant 2 : i32
        %parallel_loop3A_116 = arith.index_cast %parallel_loop3A_114 : i32 to index
        %parallel_loop3A_117 = arith.index_cast %parallel_loop3A_115 : i32 to index
        %parallel_loop3A_118 = arith.index_cast %parallel_loop3A_26 : i32 to index
        %parallel_loop3A_119 = tpu.vector_load %arg7[%parallel_loop3A_116, %parallel_loop3A_117, %parallel_loop3A_118] {strides = array<i32>} : memref<3x8x512xf32, #tpu.memory_space<vmem>>, vector<16xf32>,
        tpu.vector_store %arg7[%parallel_loop3A_116, %parallel_loop3A_117, %parallel_loop3A_118], %parallel_loop3A_113 {strides = array<i32>} : memref<3x8x512xf32, #tpu.memory_space<vmem>>, vector<16xf32>,
        %parallel_loop3A_120 = arith.constant 3 : i32
        %parallel_loop3A_121 = arith.index_cast %parallel_loop3A_120 : i32 to index
        %parallel_loop3A_122 = arith.index_cast %parallel_loop3A_26 : i32 to index
        %parallel_loop3A_123 = tpu.vector_load %arg6[%parallel_loop3A_121, %parallel_loop3A_122] {strides = array<i32>} : memref<8x512xi32, #tpu.memory_space<vmem>>, vector<16xi32>,
        %parallel_loop3A_124 = arith.constant 0 : i32
        %parallel_loop3A_125 = tpu.memref_slice %arg5[%parallel_loop3A_124] : memref<48xf32, #tpu.memory_space<vmem>> -> memref<16xf32, #tpu.memory_space<vmem>>
        %parallel_loop3A_126 = tpu.vector_load_idx %parallel_loop3A_125[%parallel_loop3A_123] : memref<16xf32, #tpu.memory_space<vmem>>[vector<16xi32>], vector<16xf32>,
        %parallel_loop3A_127 = arith.constant 0 : i32
        %parallel_loop3A_128 = arith.constant 3 : i32
        %parallel_loop3A_129 = arith.index_cast %parallel_loop3A_127 : i32 to index
        %parallel_loop3A_130 = arith.index_cast %parallel_loop3A_128 : i32 to index
        %parallel_loop3A_131 = arith.index_cast %parallel_loop3A_26 : i32 to index
        %parallel_loop3A_132 = tpu.vector_load %arg7[%parallel_loop3A_129, %parallel_loop3A_130, %parallel_loop3A_131] {strides = array<i32>} : memref<3x8x512xf32, #tpu.memory_space<vmem>>, vector<16xf32>,
        tpu.vector_store %arg7[%parallel_loop3A_129, %parallel_loop3A_130, %parallel_loop3A_131], %parallel_loop3A_126 {strides = array<i32>} : memref<3x8x512xf32, #tpu.memory_space<vmem>>, vector<16xf32>,
        %parallel_loop3A_133 = arith.constant 16 : i32
        %parallel_loop3A_134 = tpu.memref_slice %arg5[%parallel_loop3A_133] : memref<48xf32, #tpu.memory_space<vmem>> -> memref<16xf32, #tpu.memory_space<vmem>>
        %parallel_loop3A_135 = tpu.vector_load_idx %parallel_loop3A_134[%parallel_loop3A_123] : memref<16xf32, #tpu.memory_space<vmem>>[vector<16xi32>], vector<16xf32>,
        %parallel_loop3A_136 = arith.constant 1 : i32
        %parallel_loop3A_137 = arith.constant 3 : i32
        %parallel_loop3A_138 = arith.index_cast %parallel_loop3A_136 : i32 to index
        %parallel_loop3A_139 = arith.index_cast %parallel_loop3A_137 : i32 to index
        %parallel_loop3A_140 = arith.index_cast %parallel_loop3A_26 : i32 to index
        %parallel_loop3A_141 = tpu.vector_load %arg7[%parallel_loop3A_138, %parallel_loop3A_139, %parallel_loop3A_140] {strides = array<i32>} : memref<3x8x512xf32, #tpu.memory_space<vmem>>, vector<16xf32>,
        tpu.vector_store %arg7[%parallel_loop3A_138, %parallel_loop3A_139, %parallel_loop3A_140], %parallel_loop3A_135 {strides = array<i32>} : memref<3x8x512xf32, #tpu.memory_space<vmem>>, vector<16xf32>,
        %parallel_loop3A_142 = arith.constant 32 : i32
        %parallel_loop3A_143 = tpu.memref_slice %arg5[%parallel_loop3A_142] : memref<48xf32, #tpu.memory_space<vmem>> -> memref<16xf32, #tpu.memory_space<vmem>>
        %parallel_loop3A_144 = tpu.vector_load_idx %parallel_loop3A_143[%parallel_loop3A_123] : memref<16xf32, #tpu.memory_space<vmem>>[vector<16xi32>], vector<16xf32>,
        %parallel_loop3A_145 = arith.constant 2 : i32
        %parallel_loop3A_146 = arith.constant 3 : i32
        %parallel_loop3A_147 = arith.index_cast %parallel_loop3A_145 : i32 to index
        %parallel_loop3A_148 = arith.index_cast %parallel_loop3A_146 : i32 to index
        %parallel_loop3A_149 = arith.index_cast %parallel_loop3A_26 : i32 to index
        %parallel_loop3A_150 = tpu.vector_load %arg7[%parallel_loop3A_147, %parallel_loop3A_148, %parallel_loop3A_149] {strides = array<i32>} : memref<3x8x512xf32, #tpu.memory_space<vmem>>, vector<16xf32>,
        tpu.vector_store %arg7[%parallel_loop3A_147, %parallel_loop3A_148, %parallel_loop3A_149], %parallel_loop3A_144 {strides = array<i32>} : memref<3x8x512xf32, #tpu.memory_space<vmem>>, vector<16xf32>,
        %parallel_loop3A_151 = arith.constant 4 : i32
        %parallel_loop3A_152 = arith.index_cast %parallel_loop3A_151 : i32 to index
        %parallel_loop3A_153 = arith.index_cast %parallel_loop3A_26 : i32 to index
        %parallel_loop3A_154 = tpu.vector_load %arg6[%parallel_loop3A_152, %parallel_loop3A_153] {strides = array<i32>} : memref<8x512xi32, #tpu.memory_space<vmem>>, vector<16xi32>,
        %parallel_loop3A_155 = arith.constant 0 : i32
        %parallel_loop3A_156 = tpu.memref_slice %arg5[%parallel_loop3A_155] : memref<48xf32, #tpu.memory_space<vmem>> -> memref<16xf32, #tpu.memory_space<vmem>>
        %parallel_loop3A_157 = tpu.vector_load_idx %parallel_loop3A_156[%parallel_loop3A_154] : memref<16xf32, #tpu.memory_space<vmem>>[vector<16xi32>], vector<16xf32>,
        %parallel_loop3A_158 = arith.constant 0 : i32
        %parallel_loop3A_159 = arith.constant 4 : i32
        %parallel_loop3A_160 = arith.index_cast %parallel_loop3A_158 : i32 to index
        %parallel_loop3A_161 = arith.index_cast %parallel_loop3A_159 : i32 to index
        %parallel_loop3A_162 = arith.index_cast %parallel_loop3A_26 : i32 to index
        %parallel_loop3A_163 = tpu.vector_load %arg7[%parallel_loop3A_160, %parallel_loop3A_161, %parallel_loop3A_162] {strides = array<i32>} : memref<3x8x512xf32, #tpu.memory_space<vmem>>, vector<16xf32>,
        tpu.vector_store %arg7[%parallel_loop3A_160, %parallel_loop3A_161, %parallel_loop3A_162], %parallel_loop3A_157 {strides = array<i32>} : memref<3x8x512xf32, #tpu.memory_space<vmem>>, vector<16xf32>,
        %parallel_loop3A_164 = arith.constant 16 : i32
        %parallel_loop3A_165 = tpu.memref_slice %arg5[%parallel_loop3A_164] : memref<48xf32, #tpu.memory_space<vmem>> -> memref<16xf32, #tpu.memory_space<vmem>>
        %parallel_loop3A_166 = tpu.vector_load_idx %parallel_loop3A_165[%parallel_loop3A_154] : memref<16xf32, #tpu.memory_space<vmem>>[vector<16xi32>], vector<16xf32>,
        %parallel_loop3A_167 = arith.constant 1 : i32
        %parallel_loop3A_168 = arith.constant 4 : i32
        %parallel_loop3A_169 = arith.index_cast %parallel_loop3A_167 : i32 to index
        %parallel_loop3A_170 = arith.index_cast %parallel_loop3A_168 : i32 to index
        %parallel_loop3A_171 = arith.index_cast %parallel_loop3A_26 : i32 to index
        %parallel_loop3A_172 = tpu.vector_load %arg7[%parallel_loop3A_169, %parallel_loop3A_170, %parallel_loop3A_171] {strides = array<i32>} : memref<3x8x512xf32, #tpu.memory_space<vmem>>, vector<16xf32>,
        tpu.vector_store %arg7[%parallel_loop3A_169, %parallel_loop3A_170, %parallel_loop3A_171], %parallel_loop3A_166 {strides = array<i32>} : memref<3x8x512xf32, #tpu.memory_space<vmem>>, vector<16xf32>,
        %parallel_loop3A_173 = arith.constant 32 : i32
        %parallel_loop3A_174 = tpu.memref_slice %arg5[%parallel_loop3A_173] : memref<48xf32, #tpu.memory_space<vmem>> -> memref<16xf32, #tpu.memory_space<vmem>>
        %parallel_loop3A_175 = tpu.vector_load_idx %parallel_loop3A_174[%parallel_loop3A_154] : memref<16xf32, #tpu.memory_space<vmem>>[vector<16xi32>], vector<16xf32>,
        %parallel_loop3A_176 = arith.constant 2 : i32
        %parallel_loop3A_177 = arith.constant 4 : i32
        %parallel_loop3A_178 = arith.index_cast %parallel_loop3A_176 : i32 to index
        %parallel_loop3A_179 = arith.index_cast %parallel_loop3A_177 : i32 to index
        %parallel_loop3A_180 = arith.index_cast %parallel_loop3A_26 : i32 to index
        %parallel_loop3A_181 = tpu.vector_load %arg7[%parallel_loop3A_178, %parallel_loop3A_179, %parallel_loop3A_180] {strides = array<i32>} : memref<3x8x512xf32, #tpu.memory_space<vmem>>, vector<16xf32>,
        tpu.vector_store %arg7[%parallel_loop3A_178, %parallel_loop3A_179, %parallel_loop3A_180], %parallel_loop3A_175 {strides = array<i32>} : memref<3x8x512xf32, #tpu.memory_space<vmem>>, vector<16xf32>,
        %parallel_loop3A_182 = arith.constant 5 : i32
        %parallel_loop3A_183 = arith.index_cast %parallel_loop3A_182 : i32 to index
        %parallel_loop3A_184 = arith.index_cast %parallel_loop3A_26 : i32 to index
        %parallel_loop3A_185 = tpu.vector_load %arg6[%parallel_loop3A_183, %parallel_loop3A_184] {strides = array<i32>} : memref<8x512xi32, #tpu.memory_space<vmem>>, vector<16xi32>,
        %parallel_loop3A_186 = arith.constant 0 : i32
        %parallel_loop3A_187 = tpu.memref_slice %arg5[%parallel_loop3A_186] : memref<48xf32, #tpu.memory_space<vmem>> -> memref<16xf32, #tpu.memory_space<vmem>>
        %parallel_loop3A_188 = tpu.vector_load_idx %parallel_loop3A_187[%parallel_loop3A_185] : memref<16xf32, #tpu.memory_space<vmem>>[vector<16xi32>], vector<16xf32>,
        %parallel_loop3A_189 = arith.constant 0 : i32
        %parallel_loop3A_190 = arith.constant 5 : i32
        %parallel_loop3A_191 = arith.index_cast %parallel_loop3A_189 : i32 to index
        %parallel_loop3A_192 = arith.index_cast %parallel_loop3A_190 : i32 to index
        %parallel_loop3A_193 = arith.index_cast %parallel_loop3A_26 : i32 to index
        %parallel_loop3A_194 = tpu.vector_load %arg7[%parallel_loop3A_191, %parallel_loop3A_192, %parallel_loop3A_193] {strides = array<i32>} : memref<3x8x512xf32, #tpu.memory_space<vmem>>, vector<16xf32>,
        tpu.vector_store %arg7[%parallel_loop3A_191, %parallel_loop3A_192, %parallel_loop3A_193], %parallel_loop3A_188 {strides = array<i32>} : memref<3x8x512xf32, #tpu.memory_space<vmem>>, vector<16xf32>,
        %parallel_loop3A_195 = arith.constant 16 : i32
        %parallel_loop3A_196 = tpu.memref_slice %arg5[%parallel_loop3A_195] : memref<48xf32, #tpu.memory_space<vmem>> -> memref<16xf32, #tpu.memory_space<vmem>>
        %parallel_loop3A_197 = tpu.vector_load_idx %parallel_loop3A_196[%parallel_loop3A_185] : memref<16xf32, #tpu.memory_space<vmem>>[vector<16xi32>], vector<16xf32>,
        %parallel_loop3A_198 = arith.constant 1 : i32
        %parallel_loop3A_199 = arith.constant 5 : i32
        %parallel_loop3A_200 = arith.index_cast %parallel_loop3A_198 : i32 to index
        %parallel_loop3A_201 = arith.index_cast %parallel_loop3A_199 : i32 to index
        %parallel_loop3A_202 = arith.index_cast %parallel_loop3A_26 : i32 to index
        %parallel_loop3A_203 = tpu.vector_load %arg7[%parallel_loop3A_200, %parallel_loop3A_201, %parallel_loop3A_202] {strides = array<i32>} : memref<3x8x512xf32, #tpu.memory_space<vmem>>, vector<16xf32>,
        tpu.vector_store %arg7[%parallel_loop3A_200, %parallel_loop3A_201, %parallel_loop3A_202], %parallel_loop3A_197 {strides = array<i32>} : memref<3x8x512xf32, #tpu.memory_space<vmem>>, vector<16xf32>,
        %parallel_loop3A_204 = arith.constant 32 : i32
        %parallel_loop3A_205 = tpu.memref_slice %arg5[%parallel_loop3A_204] : memref<48xf32, #tpu.memory_space<vmem>> -> memref<16xf32, #tpu.memory_space<vmem>>
        %parallel_loop3A_206 = tpu.vector_load_idx %parallel_loop3A_205[%parallel_loop3A_185] : memref<16xf32, #tpu.memory_space<vmem>>[vector<16xi32>], vector<16xf32>,
        %parallel_loop3A_207 = arith.constant 2 : i32
        %parallel_loop3A_208 = arith.constant 5 : i32
        %parallel_loop3A_209 = arith.index_cast %parallel_loop3A_207 : i32 to index
        %parallel_loop3A_210 = arith.index_cast %parallel_loop3A_208 : i32 to index
        %parallel_loop3A_211 = arith.index_cast %parallel_loop3A_26 : i32 to index
        %parallel_loop3A_212 = tpu.vector_load %arg7[%parallel_loop3A_209, %parallel_loop3A_210, %parallel_loop3A_211] {strides = array<i32>} : memref<3x8x512xf32, #tpu.memory_space<vmem>>, vector<16xf32>,
        tpu.vector_store %arg7[%parallel_loop3A_209, %parallel_loop3A_210, %parallel_loop3A_211], %parallel_loop3A_206 {strides = array<i32>} : memref<3x8x512xf32, #tpu.memory_space<vmem>>, vector<16xf32>,
        %parallel_loop3A_213 = arith.constant 6 : i32
        %parallel_loop3A_214 = arith.index_cast %parallel_loop3A_213 : i32 to index
        %parallel_loop3A_215 = arith.index_cast %parallel_loop3A_26 : i32 to index
        %parallel_loop3A_216 = tpu.vector_load %arg6[%parallel_loop3A_214, %parallel_loop3A_215] {strides = array<i32>} : memref<8x512xi32, #tpu.memory_space<vmem>>, vector<16xi32>,
        %parallel_loop3A_217 = arith.constant 0 : i32
        %parallel_loop3A_218 = tpu.memref_slice %arg5[%parallel_loop3A_217] : memref<48xf32, #tpu.memory_space<vmem>> -> memref<16xf32, #tpu.memory_space<vmem>>
        %parallel_loop3A_219 = tpu.vector_load_idx %parallel_loop3A_218[%parallel_loop3A_216] : memref<16xf32, #tpu.memory_space<vmem>>[vector<16xi32>], vector<16xf32>,
        %parallel_loop3A_220 = arith.constant 0 : i32
        %parallel_loop3A_221 = arith.constant 6 : i32
        %parallel_loop3A_222 = arith.index_cast %parallel_loop3A_220 : i32 to index
        %parallel_loop3A_223 = arith.index_cast %parallel_loop3A_221 : i32 to index
        %parallel_loop3A_224 = arith.index_cast %parallel_loop3A_26 : i32 to index
        %parallel_loop3A_225 = tpu.vector_load %arg7[%parallel_loop3A_222, %parallel_loop3A_223, %parallel_loop3A_224] {strides = array<i32>} : memref<3x8x512xf32, #tpu.memory_space<vmem>>, vector<16xf32>,
        tpu.vector_store %arg7[%parallel_loop3A_222, %parallel_loop3A_223, %parallel_loop3A_224], %parallel_loop3A_219 {strides = array<i32>} : memref<3x8x512xf32, #tpu.memory_space<vmem>>, vector<16xf32>,
        %parallel_loop3A_226 = arith.constant 16 : i32
        %parallel_loop3A_227 = tpu.memref_slice %arg5[%parallel_loop3A_226] : memref<48xf32, #tpu.memory_space<vmem>> -> memref<16xf32, #tpu.memory_space<vmem>>
        %parallel_loop3A_228 = tpu.vector_load_idx %parallel_loop3A_227[%parallel_loop3A_216] : memref<16xf32, #tpu.memory_space<vmem>>[vector<16xi32>], vector<16xf32>,
        %parallel_loop3A_229 = arith.constant 1 : i32
        %parallel_loop3A_230 = arith.constant 6 : i32
        %parallel_loop3A_231 = arith.index_cast %parallel_loop3A_229 : i32 to index
        %parallel_loop3A_232 = arith.index_cast %parallel_loop3A_230 : i32 to index
        %parallel_loop3A_233 = arith.index_cast %parallel_loop3A_26 : i32 to index
        %parallel_loop3A_234 = tpu.vector_load %arg7[%parallel_loop3A_231, %parallel_loop3A_232, %parallel_loop3A_233] {strides = array<i32>} : memref<3x8x512xf32, #tpu.memory_space<vmem>>, vector<16xf32>,
        tpu.vector_store %arg7[%parallel_loop3A_231, %parallel_loop3A_232, %parallel_loop3A_233], %parallel_loop3A_228 {strides = array<i32>} : memref<3x8x512xf32, #tpu.memory_space<vmem>>, vector<16xf32>,
        %parallel_loop3A_235 = arith.constant 32 : i32
        %parallel_loop3A_236 = tpu.memref_slice %arg5[%parallel_loop3A_235] : memref<48xf32, #tpu.memory_space<vmem>> -> memref<16xf32, #tpu.memory_space<vmem>>
        %parallel_loop3A_237 = tpu.vector_load_idx %parallel_loop3A_236[%parallel_loop3A_216] : memref<16xf32, #tpu.memory_space<vmem>>[vector<16xi32>], vector<16xf32>,
        %parallel_loop3A_238 = arith.constant 2 : i32
        %parallel_loop3A_239 = arith.constant 6 : i32
        %parallel_loop3A_240 = arith.index_cast %parallel_loop3A_238 : i32 to index
        %parallel_loop3A_241 = arith.index_cast %parallel_loop3A_239 : i32 to index
        %parallel_loop3A_242 = arith.index_cast %parallel_loop3A_26 : i32 to index
        %parallel_loop3A_243 = tpu.vector_load %arg7[%parallel_loop3A_240, %parallel_loop3A_241, %parallel_loop3A_242] {strides = array<i32>} : memref<3x8x512xf32, #tpu.memory_space<vmem>>, vector<16xf32>,
        tpu.vector_store %arg7[%parallel_loop3A_240, %parallel_loop3A_241, %parallel_loop3A_242], %parallel_loop3A_237 {strides = array<i32>} : memref<3x8x512xf32, #tpu.memory_space<vmem>>, vector<16xf32>,
        %parallel_loop3A_244 = arith.constant 7 : i32
        %parallel_loop3A_245 = arith.index_cast %parallel_loop3A_244 : i32 to index
        %parallel_loop3A_246 = arith.index_cast %parallel_loop3A_26 : i32 to index
        %parallel_loop3A_247 = tpu.vector_load %arg6[%parallel_loop3A_245, %parallel_loop3A_246] {strides = array<i32>} : memref<8x512xi32, #tpu.memory_space<vmem>>, vector<16xi32>,
        %parallel_loop3A_248 = arith.constant 0 : i32
        %parallel_loop3A_249 = tpu.memref_slice %arg5[%parallel_loop3A_248] : memref<48xf32, #tpu.memory_space<vmem>> -> memref<16xf32, #tpu.memory_space<vmem>>
        %parallel_loop3A_250 = tpu.vector_load_idx %parallel_loop3A_249[%parallel_loop3A_247] : memref<16xf32, #tpu.memory_space<vmem>>[vector<16xi32>], vector<16xf32>,
        %parallel_loop3A_251 = arith.constant 0 : i32
        %parallel_loop3A_252 = arith.constant 7 : i32
        %parallel_loop3A_253 = arith.index_cast %parallel_loop3A_251 : i32 to index
        %parallel_loop3A_254 = arith.index_cast %parallel_loop3A_252 : i32 to index
        %parallel_loop3A_255 = arith.index_cast %parallel_loop3A_26 : i32 to index
        %parallel_loop3A_256 = tpu.vector_load %arg7[%parallel_loop3A_253, %parallel_loop3A_254, %parallel_loop3A_255] {strides = array<i32>} : memref<3x8x512xf32, #tpu.memory_space<vmem>>, vector<16xf32>,
        tpu.vector_store %arg7[%parallel_loop3A_253, %parallel_loop3A_254, %parallel_loop3A_255], %parallel_loop3A_250 {strides = array<i32>} : memref<3x8x512xf32, #tpu.memory_space<vmem>>, vector<16xf32>,
        %parallel_loop3A_257 = arith.constant 16 : i32
        %parallel_loop3A_258 = tpu.memref_slice %arg5[%parallel_loop3A_257] : memref<48xf32, #tpu.memory_space<vmem>> -> memref<16xf32, #tpu.memory_space<vmem>>
        %parallel_loop3A_259 = tpu.vector_load_idx %parallel_loop3A_258[%parallel_loop3A_247] : memref<16xf32, #tpu.memory_space<vmem>>[vector<16xi32>], vector<16xf32>,
        %parallel_loop3A_260 = arith.constant 1 : i32
        %parallel_loop3A_261 = arith.constant 7 : i32
        %parallel_loop3A_262 = arith.index_cast %parallel_loop3A_260 : i32 to index
        %parallel_loop3A_263 = arith.index_cast %parallel_loop3A_261 : i32 to index
        %parallel_loop3A_264 = arith.index_cast %parallel_loop3A_26 : i32 to index
        %parallel_loop3A_265 = tpu.vector_load %arg7[%parallel_loop3A_262, %parallel_loop3A_263, %parallel_loop3A_264] {strides = array<i32>} : memref<3x8x512xf32, #tpu.memory_space<vmem>>, vector<16xf32>,
        tpu.vector_store %arg7[%parallel_loop3A_262, %parallel_loop3A_263, %parallel_loop3A_264], %parallel_loop3A_259 {strides = array<i32>} : memref<3x8x512xf32, #tpu.memory_space<vmem>>, vector<16xf32>,
        %parallel_loop3A_266 = arith.constant 32 : i32
        %parallel_loop3A_267 = tpu.memref_slice %arg5[%parallel_loop3A_266] : memref<48xf32, #tpu.memory_space<vmem>> -> memref<16xf32, #tpu.memory_space<vmem>>
        %parallel_loop3A_268 = tpu.vector_load_idx %parallel_loop3A_267[%parallel_loop3A_247] : memref<16xf32, #tpu.memory_space<vmem>>[vector<16xi32>], vector<16xf32>,
        %parallel_loop3A_269 = arith.constant 2 : i32
        %parallel_loop3A_270 = arith.constant 7 : i32
        %parallel_loop3A_271 = arith.index_cast %parallel_loop3A_269 : i32 to index
        %parallel_loop3A_272 = arith.index_cast %parallel_loop3A_270 : i32 to index
        %parallel_loop3A_273 = arith.index_cast %parallel_loop3A_26 : i32 to index
        %parallel_loop3A_274 = tpu.vector_load %arg7[%parallel_loop3A_271, %parallel_loop3A_272, %parallel_loop3A_273] {strides = array<i32>} : memref<3x8x512xf32, #tpu.memory_space<vmem>>, vector<16xf32>,
        tpu.vector_store %arg7[%parallel_loop3A_271, %parallel_loop3A_272, %parallel_loop3A_273], %parallel_loop3A_268 {strides = array<i32>} : memref<3x8x512xf32, #tpu.memory_space<vmem>>, vector<16xf32>,
      } {sc.loop_unroll_factor = 2 : i64, sc.parallel_access}
      %mul3A_13 = arith.constant 8 : i32
      %mul3A_14 = arith.muli %scan3A_8, %mul3A_13 : i32
      %run_scoped3A = arith.constant 0 : i32
      %run_scoped3A_15 = arith.constant 0 : i32
      "tpu.region"() ({
        %run_scoped3A_24 = tpu.sem_alloc : memref<!tpu.dma_semaphore, #tpu.memory_space<semaphore_mem>>
        %dma_start3A = arith.constant 0 : i32
        %dma_start3A_25 = arith.constant 0 : i32
        %dma_start3A_26 = tpu.memref_slice %arg7[%run_scoped3A, %dma_start3A, %dma_start3A_25] : memref<3x8x512xf32, #tpu.memory_space<vmem>> -> memref<1x8x512xf32, #tpu.memory_space<vmem>>
        %dma_start3A_27 = tpu.memref_squeeze %dma_start3A_26 : memref<1x8x512xf32, #tpu.memory_space<vmem>> -> memref<8x512xf32, #tpu.memory_space<vmem>>
        %dma_start3A_28 = tpu.memref_slice %arg4[%run_scoped3A_15, %mul3A_14, %mul3A_2] : memref<3x200x16384xf32, #tpu.memory_space<hbm>> -> memref<1x8x512xf32, #tpu.memory_space<hbm>>
        %dma_start3A_29 = tpu.memref_squeeze %dma_start3A_28 : memref<1x8x512xf32, #tpu.memory_space<hbm>> -> memref<8x512xf32, #tpu.memory_space<hbm>>
        %dma_start3A_30 = tpu.memref_slice %arg4[%run_scoped3A_15, %mul3A_14, %mul3A_2] : memref<3x200x16384xf32, #tpu.memory_space<hbm>> -> memref<1x8x512xf32, #tpu.memory_space<hbm>>
        %dma_start3A_31 = tpu.memref_squeeze %dma_start3A_30 : memref<1x8x512xf32, #tpu.memory_space<hbm>> -> memref<8x512xf32, #tpu.memory_space<hbm>>
        %dma_start3A_32 = arith.constant 0 : i32
        %dma_start3A_33 = arith.constant 0 : i32
        %dma_start3A_34 = tpu.memref_slice %arg7[%run_scoped3A, %dma_start3A_32, %dma_start3A_33] : memref<3x8x512xf32, #tpu.memory_space<vmem>> -> memref<1x8x512xf32, #tpu.memory_space<vmem>>
        %dma_start3A_35 = tpu.memref_squeeze %dma_start3A_34 : memref<1x8x512xf32, #tpu.memory_space<vmem>> -> memref<8x512xf32, #tpu.memory_space<vmem>>
        tpu.enqueue_dma source(%dma_start3A_35 : memref<8x512xf32, #tpu.memory_space<vmem>>) target(%dma_start3A_31 : memref<8x512xf32, #tpu.memory_space<hbm>>) target_semaphore(%run_scoped3A_24 : memref<!tpu.dma_semaphore, #tpu.memory_space<semaphore_mem>>)
        %dma_wait3A = arith.constant 0 : i32
        %dma_wait3A_36 = arith.constant 0 : i32
        %dma_wait3A_37 = tpu.memref_slice %arg7[%run_scoped3A, %dma_wait3A, %dma_wait3A_36] : memref<3x8x512xf32, #tpu.memory_space<vmem>> -> memref<1x8x512xf32, #tpu.memory_space<vmem>>
        %dma_wait3A_38 = tpu.memref_squeeze %dma_wait3A_37 : memref<1x8x512xf32, #tpu.memory_space<vmem>> -> memref<8x512xf32, #tpu.memory_space<vmem>>
        %dma_wait3A_39 = tpu.memref_slice %arg4[%run_scoped3A_15, %mul3A_14, %mul3A_2] : memref<3x200x16384xf32, #tpu.memory_space<hbm>> -> memref<1x8x512xf32, #tpu.memory_space<hbm>>
        %dma_wait3A_40 = tpu.memref_squeeze %dma_wait3A_39 : memref<1x8x512xf32, #tpu.memory_space<hbm>> -> memref<8x512xf32, #tpu.memory_space<hbm>>
        %dma_wait3A_41 = tpu.memref_slice %arg4[%run_scoped3A_15, %mul3A_14, %mul3A_2] : memref<3x200x16384xf32, #tpu.memory_space<hbm>> -> memref<1x8x512xf32, #tpu.memory_space<hbm>>
        %dma_wait3A_42 = tpu.memref_squeeze %dma_wait3A_41 : memref<1x8x512xf32, #tpu.memory_space<hbm>> -> memref<8x512xf32, #tpu.memory_space<hbm>>
        %dma_wait3A_43 = arith.constant 0 : i32
        %dma_wait3A_44 = arith.constant 0 : i32
        %dma_wait3A_45 = tpu.memref_slice %arg7[%run_scoped3A, %dma_wait3A_43, %dma_wait3A_44] : memref<3x8x512xf32, #tpu.memory_space<vmem>> -> memref<1x8x512xf32, #tpu.memory_space<vmem>>
        %dma_wait3A_46 = tpu.memref_squeeze %dma_wait3A_45 : memref<1x8x512xf32, #tpu.memory_space<vmem>> -> memref<8x512xf32, #tpu.memory_space<vmem>>
        tpu.wait_dma2 semaphore(%run_scoped3A_24 : memref<!tpu.dma_semaphore, #tpu.memory_space<semaphore_mem>>) src(%dma_wait3A_46 : memref<8x512xf32, #tpu.memory_space<vmem>>) dst(%dma_wait3A_42 : memref<8x512xf32, #tpu.memory_space<hbm>>)
        tpu.yield
      }) : () -> ()
      %mul3A_16 = arith.constant 8 : i32
      %mul3A_17 = arith.muli %scan3A_8, %mul3A_16 : i32
      %run_scoped3A_18 = arith.constant 1 : i32
      %run_scoped3A_19 = arith.constant 1 : i32
      "tpu.region"() ({
        %run_scoped3A_24 = tpu.sem_alloc : memref<!tpu.dma_semaphore, #tpu.memory_space<semaphore_mem>>
        %dma_start3A = arith.constant 0 : i32
        %dma_start3A_25 = arith.constant 0 : i32
        %dma_start3A_26 = tpu.memref_slice %arg7[%run_scoped3A_18, %dma_start3A, %dma_start3A_25] : memref<3x8x512xf32, #tpu.memory_space<vmem>> -> memref<1x8x512xf32, #tpu.memory_space<vmem>>
        %dma_start3A_27 = tpu.memref_squeeze %dma_start3A_26 : memref<1x8x512xf32, #tpu.memory_space<vmem>> -> memref<8x512xf32, #tpu.memory_space<vmem>>
        %dma_start3A_28 = tpu.memref_slice %arg4[%run_scoped3A_19, %mul3A_17, %mul3A_2] : memref<3x200x16384xf32, #tpu.memory_space<hbm>> -> memref<1x8x512xf32, #tpu.memory_space<hbm>>
        %dma_start3A_29 = tpu.memref_squeeze %dma_start3A_28 : memref<1x8x512xf32, #tpu.memory_space<hbm>> -> memref<8x512xf32, #tpu.memory_space<hbm>>
        %dma_start3A_30 = tpu.memref_slice %arg4[%run_scoped3A_19, %mul3A_17, %mul3A_2] : memref<3x200x16384xf32, #tpu.memory_space<hbm>> -> memref<1x8x512xf32, #tpu.memory_space<hbm>>
        %dma_start3A_31 = tpu.memref_squeeze %dma_start3A_30 : memref<1x8x512xf32, #tpu.memory_space<hbm>> -> memref<8x512xf32, #tpu.memory_space<hbm>>
        %dma_start3A_32 = arith.constant 0 : i32
        %dma_start3A_33 = arith.constant 0 : i32
        %dma_start3A_34 = tpu.memref_slice %arg7[%run_scoped3A_18, %dma_start3A_32, %dma_start3A_33] : memref<3x8x512xf32, #tpu.memory_space<vmem>> -> memref<1x8x512xf32, #tpu.memory_space<vmem>>
        %dma_start3A_35 = tpu.memref_squeeze %dma_start3A_34 : memref<1x8x512xf32, #tpu.memory_space<vmem>> -> memref<8x512xf32, #tpu.memory_space<vmem>>
        tpu.enqueue_dma source(%dma_start3A_35 : memref<8x512xf32, #tpu.memory_space<vmem>>) target(%dma_start3A_31 : memref<8x512xf32, #tpu.memory_space<hbm>>) target_semaphore(%run_scoped3A_24 : memref<!tpu.dma_semaphore, #tpu.memory_space<semaphore_mem>>)
        %dma_wait3A = arith.constant 0 : i32
        %dma_wait3A_36 = arith.constant 0 : i32
        %dma_wait3A_37 = tpu.memref_slice %arg7[%run_scoped3A_18, %dma_wait3A, %dma_wait3A_36] : memref<3x8x512xf32, #tpu.memory_space<vmem>> -> memref<1x8x512xf32, #tpu.memory_space<vmem>>
        %dma_wait3A_38 = tpu.memref_squeeze %dma_wait3A_37 : memref<1x8x512xf32, #tpu.memory_space<vmem>> -> memref<8x512xf32, #tpu.memory_space<vmem>>
        %dma_wait3A_39 = tpu.memref_slice %arg4[%run_scoped3A_19, %mul3A_17, %mul3A_2] : memref<3x200x16384xf32, #tpu.memory_space<hbm>> -> memref<1x8x512xf32, #tpu.memory_space<hbm>>
        %dma_wait3A_40 = tpu.memref_squeeze %dma_wait3A_39 : memref<1x8x512xf32, #tpu.memory_space<hbm>> -> memref<8x512xf32, #tpu.memory_space<hbm>>
        %dma_wait3A_41 = tpu.memref_slice %arg4[%run_scoped3A_19, %mul3A_17, %mul3A_2] : memref<3x200x16384xf32, #tpu.memory_space<hbm>> -> memref<1x8x512xf32, #tpu.memory_space<hbm>>
        %dma_wait3A_42 = tpu.memref_squeeze %dma_wait3A_41 : memref<1x8x512xf32, #tpu.memory_space<hbm>> -> memref<8x512xf32, #tpu.memory_space<hbm>>
        %dma_wait3A_43 = arith.constant 0 : i32
        %dma_wait3A_44 = arith.constant 0 : i32
        %dma_wait3A_45 = tpu.memref_slice %arg7[%run_scoped3A_18, %dma_wait3A_43, %dma_wait3A_44] : memref<3x8x512xf32, #tpu.memory_space<vmem>> -> memref<1x8x512xf32, #tpu.memory_space<vmem>>
        %dma_wait3A_46 = tpu.memref_squeeze %dma_wait3A_45 : memref<1x8x512xf32, #tpu.memory_space<vmem>> -> memref<8x512xf32, #tpu.memory_space<vmem>>
        tpu.wait_dma2 semaphore(%run_scoped3A_24 : memref<!tpu.dma_semaphore, #tpu.memory_space<semaphore_mem>>) src(%dma_wait3A_46 : memref<8x512xf32, #tpu.memory_space<vmem>>) dst(%dma_wait3A_42 : memref<8x512xf32, #tpu.memory_space<hbm>>)
        tpu.yield
      }) : () -> ()
      %mul3A_20 = arith.constant 8 : i32
      %mul3A_21 = arith.muli %scan3A_8, %mul3A_20 : i32
      %run_scoped3A_22 = arith.constant 2 : i32
      %run_scoped3A_23 = arith.constant 2 : i32
      "tpu.region"() ({
        %run_scoped3A_24 = tpu.sem_alloc : memref<!tpu.dma_semaphore, #tpu.memory_space<semaphore_mem>>
        %dma_start3A = arith.constant 0 : i32
        %dma_start3A_25 = arith.constant 0 : i32
        %dma_start3A_26 = tpu.memref_slice %arg7[%run_scoped3A_22, %dma_start3A, %dma_start3A_25] : memref<3x8x512xf32, #tpu.memory_space<vmem>> -> memref<1x8x512xf32, #tpu.memory_space<vmem>>
        %dma_start3A_27 = tpu.memref_squeeze %dma_start3A_26 : memref<1x8x512xf32, #tpu.memory_space<vmem>> -> memref<8x512xf32, #tpu.memory_space<vmem>>
        %dma_start3A_28 = tpu.memref_slice %arg4[%run_scoped3A_23, %mul3A_21, %mul3A_2] : memref<3x200x16384xf32, #tpu.memory_space<hbm>> -> memref<1x8x512xf32, #tpu.memory_space<hbm>>
        %dma_start3A_29 = tpu.memref_squeeze %dma_start3A_28 : memref<1x8x512xf32, #tpu.memory_space<hbm>> -> memref<8x512xf32, #tpu.memory_space<hbm>>
        %dma_start3A_30 = tpu.memref_slice %arg4[%run_scoped3A_23, %mul3A_21, %mul3A_2] : memref<3x200x16384xf32, #tpu.memory_space<hbm>> -> memref<1x8x512xf32, #tpu.memory_space<hbm>>
        %dma_start3A_31 = tpu.memref_squeeze %dma_start3A_30 : memref<1x8x512xf32, #tpu.memory_space<hbm>> -> memref<8x512xf32, #tpu.memory_space<hbm>>
        %dma_start3A_32 = arith.constant 0 : i32
        %dma_start3A_33 = arith.constant 0 : i32
        %dma_start3A_34 = tpu.memref_slice %arg7[%run_scoped3A_22, %dma_start3A_32, %dma_start3A_33] : memref<3x8x512xf32, #tpu.memory_space<vmem>> -> memref<1x8x512xf32, #tpu.memory_space<vmem>>
        %dma_start3A_35 = tpu.memref_squeeze %dma_start3A_34 : memref<1x8x512xf32, #tpu.memory_space<vmem>> -> memref<8x512xf32, #tpu.memory_space<vmem>>
        tpu.enqueue_dma source(%dma_start3A_35 : memref<8x512xf32, #tpu.memory_space<vmem>>) target(%dma_start3A_31 : memref<8x512xf32, #tpu.memory_space<hbm>>) target_semaphore(%run_scoped3A_24 : memref<!tpu.dma_semaphore, #tpu.memory_space<semaphore_mem>>)
        %dma_wait3A = arith.constant 0 : i32
        %dma_wait3A_36 = arith.constant 0 : i32
        %dma_wait3A_37 = tpu.memref_slice %arg7[%run_scoped3A_22, %dma_wait3A, %dma_wait3A_36] : memref<3x8x512xf32, #tpu.memory_space<vmem>> -> memref<1x8x512xf32, #tpu.memory_space<vmem>>
        %dma_wait3A_38 = tpu.memref_squeeze %dma_wait3A_37 : memref<1x8x512xf32, #tpu.memory_space<vmem>> -> memref<8x512xf32, #tpu.memory_space<vmem>>
        %dma_wait3A_39 = tpu.memref_slice %arg4[%run_scoped3A_23, %mul3A_21, %mul3A_2] : memref<3x200x16384xf32, #tpu.memory_space<hbm>> -> memref<1x8x512xf32, #tpu.memory_space<hbm>>
        %dma_wait3A_40 = tpu.memref_squeeze %dma_wait3A_39 : memref<1x8x512xf32, #tpu.memory_space<hbm>> -> memref<8x512xf32, #tpu.memory_space<hbm>>
        %dma_wait3A_41 = tpu.memref_slice %arg4[%run_scoped3A_23, %mul3A_21, %mul3A_2] : memref<3x200x16384xf32, #tpu.memory_space<hbm>> -> memref<1x8x512xf32, #tpu.memory_space<hbm>>
        %dma_wait3A_42 = tpu.memref_squeeze %dma_wait3A_41 : memref<1x8x512xf32, #tpu.memory_space<hbm>> -> memref<8x512xf32, #tpu.memory_space<hbm>>
        %dma_wait3A_43 = arith.constant 0 : i32
        %dma_wait3A_44 = arith.constant 0 : i32
        %dma_wait3A_45 = tpu.memref_slice %arg7[%run_scoped3A_22, %dma_wait3A_43, %dma_wait3A_44] : memref<3x8x512xf32, #tpu.memory_space<vmem>> -> memref<1x8x512xf32, #tpu.memory_space<vmem>>
        %dma_wait3A_46 = tpu.memref_squeeze %dma_wait3A_45 : memref<1x8x512xf32, #tpu.memory_space<vmem>> -> memref<8x512xf32, #tpu.memory_space<vmem>>
        tpu.wait_dma2 semaphore(%run_scoped3A_24 : memref<!tpu.dma_semaphore, #tpu.memory_space<semaphore_mem>>) src(%dma_wait3A_46 : memref<8x512xf32, #tpu.memory_space<vmem>>) dst(%dma_wait3A_42 : memref<8x512xf32, #tpu.memory_space<hbm>>)
        tpu.yield
      }) : () -> ()
    }
    %scan3A_7 = arith.constant 25 : i32
    return
  }
}

</mosaic_0001>

<sc_bundles>
// kernel: kernel.3.cloned.1.call-start
scs
__scs_entry_jumppad:
0x0: {  	(pc) =	sbr.rel $0x88, $3  }
0x1: {  	(tag) =	ssettag $0x0;
	lr =	simm.s32 $0x1  }
0x2: {  	[smem:$0x3F9F] =	sst lr;
	_ =	strace $0xD0000000  }
0x3: {  	_ = 	snop  }
0x4: {  	_ = 	snop  }
0x5: {  	_ = 	snop  }
0x6: {  	_ = 	snop  }
0x7: {  	_ = 	snop  }
__scs_overlays_trampoline_lowered:
0x8: {  	[smem:$0x3FAE] =	sst s0  }
0x9: {  	[smem:$0x3FAF] =	sst s1  }
0xa: {  	[smem:$0x3FB0] =	sst s2  }
0xb: {  	[smem:$0x3FB1] =	sst s3  }
0xc: {  	[smem:$0x3FB2] =	sst s4  }
0xd: {  	[smem:$0x3FB3] =	sst s5  }
0xe: {  	[smem:$0x3FB4] =	sst s6  }
0xf: {  	[smem:$0x3FB5] =	sst s7  }
0x10: {  	[smem:$0x3FB6] =	sst s8  }
0x11: {  	[smem:$0x3FB7] =	sst s9;
	s0 =	simm.s32 @!p0 $0x0  }
0x12: {  	s1 =	sld [smem:$0x3F9D];
	s0 =	simm.s32 @p0 $0x1  }
0x13: {  	[smem:$0x3FB8] =	sst s0;
	s0 =	simm.s32 @!p1 $0x0  }
0x14: {  	s2 =	sld [smem:$0x3F9C];
	s0 =	simm.s32 @p1 $0x1  }
0x15: {  	[smem:$0x3FB9] =	sst s0;
	s0 =	simm.s32 @!p2 $0x0  }
0x16: {  	s3 =	sld [smem:$0x3FDB];
	s0 =	simm.s32 @p2 $0x1  }
0x17: {  	s4 =	simm.s32 $0x1BF5;
	[smem:$0x3FBB] =	sst s0  }
0x18: {  	s0 =	sld [smem:$0x3F9E];
	_ =	swait.ge [sflag:s4], $0x0  }
0x19: {  	s7 =	sld [smem:$0x3F9F]  }
0x1a: {  	s8 =	sadd.s32 $0xFFFFE003, lr  }
0x1b: {  	s9 =	sadd.s32 $0xFFFFFEF7, lr;
	s5 =	simm.s32 $0xFFFFFFFF;
	p2 =	slt.u32 s8, $0xFFFFF086  }
0x1c: {  	p1 =	slt.u32 s9, $0xF7A;
	s5 =	simm.s32 @!p2 $0x0  }
0x1d: {  	s5 =	simm.s32 @p1 $0x1;
	p0 =	seq.s32 s7, s2  }
0x1e: {  	s7 =	smul.u32 @!p0 $0xF7A, s2;
	p2 =	seq.s32 @!p0 s5, $0x0  }
0x1f: {  	s9 =	smul.u32 $0xF7A, s1;
	s8 =	simm.s32 @!p0 $0x1BF5;
	p2 =	por !p2, p0  }
0x20: {  	[sflag:s8] =	ssyncset.s32 @!p0 $0xFFFFF086;
	s6 =	sadd.s32 @!p0 s3, s7;
	s7 =	simm.s32 @!p0 $0x108  }
0x21: {  	s3 =	sadd.s32 s3, s9;
	s6 =	sadd.s32 @!p0 $0x88, s6;
	s7 =	simm.s32 @p2 $0x1082  }
0x22: {  	[simem:s7], [sflag:s8] =	dma.local @!p0 [hbm:s6], $0xF7A  }
0x23: {  	s9 =	sor.u32 $0xD0000000, s2;
	s6 =	simm.s32 $0x108;
	_ =	swait.ge @!p0 [sflag:s8], $0x0  }
0x24: {  	s3 =	sadd.s32 $0x88, s3;
	s6 =	simm.s32 @!p1 $0x1082;
	[sflag:s4] =	ssyncset.s32 $0xFFFFF086  }
0x25: {  	[simem:s6], [sflag:s4] =	dma.local [hbm:s3], $0xF7A  }
0x26: {  	[smem:$0x3F9F] =	sst s1;
	(tag) =	ssettag s2;
	_ =	strace s9  }
0x27: {  	s1 =	sld [smem:$0x3FAF]  }
0x28: {  	s2 =	sld [smem:$0x3FB0]  }
0x29: {  	s4 =	sld [smem:$0x3FB2]  }
0x2a: {  	p0 =	seq.s32 s5, $0x0;
	s5 =	sld [smem:$0x3FB3]  }
0x2b: {  	s6 =	sld [smem:$0x3FB4]  }
0x2c: {  	s7 =	sld [smem:$0x3FB5]  }
0x2d: {  	s3 =	simm.s32 $0x108;
	s8 =	sld [smem:$0x3FB6]  }
0x2e: {  	s3 =	simm.s32 @!p0 $0x1082;
	s9 =	sld [smem:$0x3FB7]  }
0x2f: {  	lr =	sadd.s32 s0, s3;
	s0 =	sld [smem:$0x3FAE]  }
0x30: {  	s3 =	sld [smem:$0x3FB1]  }
0x31: {  	[smem:$0x3FBA] =	sst s10  }
0x32: {  	s10 =	sld [smem:$0x3FB8];
	_ =	sdelay $0x3  }
0x33: {  	p0 =	seq.s32 s10, $0x1;
	s10 =	sld [smem:$0x3FBA];
	_ =	sdelay $0x3  }
0x34: {  	[smem:$0x3FBA] =	sst s10  }
0x35: {  	s10 =	sld [smem:$0x3FB9];
	_ =	sdelay $0x3  }
0x36: {  	p1 =	seq.s32 s10, $0x1;
	s10 =	sld [smem:$0x3FBA];
	_ =	sdelay $0x3  }
0x37: {  	[smem:$0x3FBA] =	sst s10  }
0x38: {  	s10 =	sld [smem:$0x3FBB]  }
0x39: {  	_ = 	snop;
	(pc) =	sbr.ind lr, $3  }
0x3a: {  	_ = 	snop  }
0x3b: {  	_ = 	snop  }
0x3c: {  	p2 =	seq.s32 s10, $0x1;
	s10 =	sld [smem:$0x3FBA]  }
0x3d: {  	_ =	shalt  }
0x3e: {  	_ =	shalt  }
0x3f: {  	_ =	shalt  }
0x40: {  	_ =	shalt  }
0x41: {  	_ =	shalt  }
0x42: {  	_ =	shalt  }
0x43: {  	_ =	shalt  }
0x44: {  	_ =	shalt  }
0x45: {  	_ =	shalt  }
0x46: {  	_ =	shalt  }
0x47: {  	_ =	shalt  }
0x48: {  	_ =	shalt  }
0x49: {  	_ =	shalt  }
0x4a: {  	_ =	shalt  }
0x4b: {  	_ =	shalt  }
0x4c: {  	_ =	shalt  }
0x4d: {  	_ =	shalt  }
0x4e: {  	_ =	shalt  }
0x4f: {  	_ =	shalt  }
0x50: {  	_ =	shalt  }
0x51: {  	_ =	shalt  }
0x52: {  	_ =	shalt  }
0x53: {  	_ =	shalt  }
0x54: {  	_ =	shalt  }
0x55: {  	_ =	shalt  }
0x56: {  	_ =	shalt  }
0x57: {  	_ =	shalt  }
0x58: {  	_ =	shalt  }
0x59: {  	_ =	shalt  }
0x5a: {  	_ =	shalt  }
0x5b: {  	_ =	shalt  }
0x5c: {  	_ =	shalt  }
0x5d: {  	_ =	shalt  }
0x5e: {  	_ =	shalt  }
0x5f: {  	_ =	shalt  }
0x60: {  	_ =	shalt  }
0x61: {  	_ =	shalt  }
0x62: {  	_ =	shalt  }
0x63: {  	_ =	shalt  }
0x64: {  	_ =	shalt  }
0x65: {  	_ =	shalt  }
0x66: {  	_ =	shalt  }
0x67: {  	_ =	shalt  }
0x68: {  	_ =	shalt  }
0x69: {  	_ =	shalt  }
0x6a: {  	_ =	shalt  }
0x6b: {  	_ =	shalt  }
0x6c: {  	_ =	shalt  }
0x6d: {  	_ =	shalt  }
0x6e: {  	_ =	shalt  }
0x6f: {  	_ =	shalt  }
0x70: {  	_ =	shalt  }
0x71: {  	_ =	shalt  }
0x72: {  	_ =	shalt  }
0x73: {  	_ =	shalt  }
0x74: {  	_ =	shalt  }
0x75: {  	_ =	shalt  }
0x76: {  	_ =	shalt  }
0x77: {  	_ =	shalt  }
0x78: {  	_ =	shalt  }
0x79: {  	_ =	shalt  }
0x7a: {  	_ =	shalt  }
0x7b: {  	_ =	shalt  }
0x7c: {  	_ =	shalt  }
0x7d: {  	_ =	shalt  }
0x7e: {  	_ =	shalt  }
0x7f: {  	_ =	shalt  }
0x80: {  	_ =	shalt  }
0x81: {  	_ =	shalt  }
0x82: {  	_ =	shalt  }
0x83: {  	_ =	shalt  }
0x84: {  	_ =	shalt  }
0x85: {  	_ =	shalt  }
0x86: {  	_ =	shalt  }
0x87: {  	_ =	shalt  }
.Lfunc_end0:
.L_simem_size_0:
called_computation_lowered:
.L_overlay_start_0:
0x88: {  	s2 =	sld [smem:$0x3FD9]  }
0x89: {  	s3 =	sld [smem:$0x3FFE];
	_ =	sdelay $0x1  }
0x8a: {  	s1 =	srdreg.scid  }
0x8b: {  	s0 =	sand.u32 $0x1, s1  }
0x8c: {  	s17 =	sshll.u32 s0, $0xA;
	s2 =	sadd.s32 s3, s2  }
0x8d: {  	s2 =	sadd.s32 s2, s17  }
0x8e: {  	[smem:$0x3FC6] =	sst s2  }
0x8f: {  	_ = 	snop  }
0x90: {  	s2 =	sld [smem:$0x3FC9]  }
0x91: {  	s18 =	sld [smem:$0x3FD0];
	(tm) =	ssettm $0x1  }
0x92: {  	s4 =	sld [smem:$0x3FFB];
	_ =	sdelay $0x3  }
0x93: {  	_ =	strace s4  }
0x94: {  	s4 =	sld [smem:$0x3FFC];
	_ =	sdelay $0x3  }
0x95: {  	_ =	strace s4  }
0x96: {  	s4 =	sld [smem:$0x3FFD];
	_ =	sdelay $0x3  }
0x97: {  	_ =	strace s4  }
0x98: {  	_ =	strace $0x8FFFFFFF  }
0x99: {  	s19 =	sld [smem:$0x3FDB];
	_ =	sdelay $0x1  }
0x9a: {  	s5 =	simm.s32 $_scs_section_size  }
0x9b: {  	s6 =	simm.s32 $_size__tile_overlayer_lowered;
	s7 =	simm.s32 $_tile_overlayer_lowered  }
0x9c: {  	s22 =	simm.s32 $0x1BFF;
	s21 =	sshll.u32 s7, $0x1;
	s4 =	sadd.s32 s5, s19  }
0x9d: {  	s8 =	simm.s32 $0x0;
	s20 =	sshll.u32 s6, $0x1;
	s6 =	sadd.s32 s21, s4  }
0x9e: {  	[timem:s8], [sflag:s22] =	dma.local [hbm:s6], s20  }
0x9f: {  	_ =	swait.ge [sflag:s22], s20  }
0xa0: {  	s5 =	ssub.s32 $0x0, s20;
	[sflag:s22] =	ssyncset.done $0x0  }
0xa1: {  	[sflag:s22] =	ssyncadd.s32 s5;
	_ =	sdelay $0x1  }
0xa2: {  	s23 =	simm.s32 $0x1B8B  }
0xa3: {  	_ =	swait.ge [sflag:s23], $0x1  }
0xa4: {  	[sflag:s23] =	ssyncset.done $0x0  }
0xa5: {  	s25 =	simm.s32 $0x1B8E;
	s24 =	sld [smem:$0x3FFE];
	[sflag:s23] =	ssyncadd.s32 $0xFFFFFFFF  }
0xa6: {  	s26 =	simm.s32 $execute0_lowered;
	[smem:$0x3FD2] =	sst s25  }
0xa7: {  	s6 =	sshll.u32 s26, $0x1;
	_ =	strace $0x80000046;
	[dreg:$0x1] =	wrdreg $0xFFFFFFFF  }
0xa8: {  	s28 =	simm.s32 $_size_execute0_lowered;
	s4 =	sadd.s32 s4, s6;
	[dreg:$0x0] =	wrdreg $0x0  }
0xa9: {  	s6 =	sshll.u32 s28, $0x1;
	[dreg:$0x2] =	wrdreg s4  }
0xaa: {  	[dreg:$0x3] =	wrdreg s6  }
0xab: {  	[dreg:$0x4] =	wrdreg $0xC0  }
0xac: {  	_ =	task [dreg:s8], $0x5FFFF  }
0xad: {  	[dreg:$0x1] =	wrdreg $0xFFFFFFFF  }
0xae: {  	[dreg:$0x0] =	wrdreg $0x60  }
0xaf: {  	[dreg:$0x2] =	wrdreg s2  }
0xb0: {  	[dreg:$0x3] =	wrdreg s24  }
0xb1: {  	[dreg:$0x4] =	wrdreg s18  }
0xb2: {  	[dreg:$0x5] =	wrdreg $0x9  }
0xb3: {  	_ =	task.clear_ibuf [dreg:s8], $0x6FFFF;
	_ =	strace $0x90000046  }
0xb4: {  	s29 =	simm.s32 $0x9;
	_ =	strace $0x80000048  }
0xb5: {  	_ =	swait.ge [sflag:s29], $0x1  }
0xb6: {  	[sflag:s29] =	ssyncadd.s32 $0xFFFFFFFF  }
0xb7: {  	_ =	strace $0x90000048  }
0xb8: {  	_ =	sfence  }
0xb9: {  	s30 =	sld [smem:$0x0];
	_ =	sdelay $0x2  }
0xba: {  	s31 =	sshll.u32 s1, $0xD;
	s1 =	sshrl.u32 s1, $0x2  }
0xbb: {  	s3 =	sand.u32 $0x4000, s31;
	s1 =	sadd.s32 s1, s30  }
0xbc: {  	s0 =	sor.u32 s3, s0;
	s1 =	sshll.u32 s1, $0x11  }
0xbd: {  	s0 =	sor.u32 s1, s0  }
0xbe: {  	s0 =	sadd.s32 $0x8F2B, s0  }
0xbf: {  	[sflag:s0] =	ssyncadd.remote.s32 $0x1  }
0xc0: {  	_ =	sfence.sel $0xFFFF  }
0xc1: {  	[dreg:$0x0] =	wrdreg $0xFFFFFFFF;
	(pc) =	sbr.abs _section_cstart, $3  }
0xc2: {  	[dreg:$0x1] =	wrdreg $0xFFFFFFFF  }
0xc3: {  	_ =	task.clear_ibuf [dreg:s8], $0x2FFFF;
	_ =	strace $0x9FFFFFFF  }
0xc4: {  	(tm) =	ssettm $0x7FFFFFFF  }
0xc5: {  	_ =	shalt  }
tec
execute0_lowered:
.L_overlay_start_1:
0x0: {  	(tag) =	ssettag $0x1  }
0x1: {  	s0 =	rddreg [dreg:$0x1];
	s19 =	simm.s32 $0x0;
	s1 =	srdreg.scid  }
0x2: {  	s4 =	stileid.u32;
	[smem:$0x7FF] =	sst s19;
	s1 =	sand.u32 $0x1, s1  }
0x3: {  	s4 =	sshll.u32 s4, $0xD;
	s0 =	sadd.s32 $0x400, s0;
	s2 =	ssub.s32 $0x2, s1  }
0x4: {  	_ =	strace $0x80000047;
	s1 =	sshll.u32 s1, $0xC;
	s3 =	sshrl.u32 s2, $0x1  }
0x5: {  	[dreg:$0x13] =	wrdreg s0;
	s1 =	sor.u32 s1, s4;
	s31 =	ssub.s32 s2, s3  }
0x6: {  	s18 =	simm.s32 $0x20;
	[dreg:$0x14] =	wrdreg s1;
	s0 =	smax.u32 s31, $0x1  }
0x7: {  	s3 =	simm.s32 $0x1;
	s1 =	simm.s32 $0x0;
	[dreg:$0x15] =	wrdreg s0  }
.LBB2_1:
0x8: {  	[dreg:$0x16] =	wrdreg s1  }
0x9: {  	s0 =	rddreg [dreg:$0x13]  }
0xa: {  	[tilespmem:s19], [sflag:$0x1] =	stream.linear.gather [hbm4b:s0+s19], $0x80, $0x38;
	[tilespmem:$0x4080] =	vst v63  }
0xb: {  	_ =	swait.ge [sflag:s3], $0x80  }
0xc: {  	[sflag:s3] =	ssyncset.done $0x0  }
0xd: {  	s0 =	simm.s32 $0x0;
	[sflag:s3] =	ssyncadd.s32 $0xFFFFFF80  }
.LBB2_2:
0xe: {  	s24 =	sshll.u32 s0, $0x11;
	s1 =	rddreg [dreg:$0x14]  }
0xf: {  	[dreg:$0x17] =	wrdreg s0;
	s0 =	sor.u32 s1, s24  }
0x10: {  	s25 =	rddreg [dreg:$0x0];
	s26 =	simm.s32 $0x80;
	s1 =	sshrl.u32 s0, $0x3  }
0x11: {  	s24 =	simm.s32 $0x0;
	[dreg:$0x18] =	wrdreg s1;
	s0 =	sadd.s32 s25, s1  }
0x12: {  	[tilespmem:s26], [sflag:$0x1] =	stream.linear.gather [hbm4b:s0+s24], $0x1000, $0x38;
	[tilespmem:$0x4080] =	vst v63  }
0x13: {  	s2 =	sand.u32 $0x60, s24;
	_ =	swait.ge [sflag:s3], $0x1000  }
0x14: {  	s7 =	sand.u32 $0xC00, s24;
	s31 =	sor.u32 $0x10, s2;
	[sflag:s3] =	ssyncset.done $0x0  }
0x15: {  	s5 =	sor.u32 s7, s31;
	[sflag:s3] =	ssyncadd.s32 $0xFFFFF000  }
0x16: {  	v0 =	vld [tilespmem:s5+$0x80];
	_ =	sdelay $0x3  }
0x17: {  	s0 =	sor.u32 s2, s7  }
0x18: {  	v2 =	vld [tilespmem:s0+$0x80];
	_ =	sdelay $0x2  }
0x19: {  	v1 =	vld.idx.msk [tilespmem:v0+s19+$0x0], $0xffff;
	_ =	sdelay $0x4  }
0x1a: {  	s13 =	simm.s32 $0x10;
	v3 =	vld.idx.msk [tilespmem:v2+s19+$0x0], $0xffff;
	[tilespmem:s5+$0x1080] =	vst v1  }
0x1b: {  	v1 =	vld.idx.msk [tilespmem:v0+s13+$0x0], $0xffff;
	_ =	sdelay $0x2  }
0x1c: {  	s1 =	sor.u32 $0x2080, s7  }
0x1d: {  	s6 =	sor.u32 s31, s1;
	[tilespmem:s0+$0x1080] =	vst v3  }
0x1e: {  	[tilespmem:s6+$0x0] =	vst v1;
	v1 =	vld.idx.msk [tilespmem:v2+s13+$0x0], $0xffff  }
0x1f: {  	v0 =	vld.idx.msk [tilespmem:v0+s18+$0x0], $0xffff;
	_ =	sdelay $0x2  }
0x20: {  	s4 =	sor.u32 $0x3080, s7;
	s3 =	sor.u32 s2, s1  }
0x21: {  	s8 =	sor.u32 s31, s4;
	[tilespmem:s3+$0x0] =	vst v1  }
0x22: {  	[tilespmem:s8+$0x0] =	vst v0;
	v1 =	vld.idx.msk [tilespmem:v2+s18+$0x0], $0xffff  }
0x23: {  	v0 =	vld [tilespmem:s5+$0x100];
	_ =	sdelay $0x2  }
0x24: {  	s6 =	sor.u32 s2, s4  }
0x25: {  	[tilespmem:s6+$0x0] =	vst v1  }
0x26: {  	v1 =	vld [tilespmem:s0+$0x100];
	_ =	sdelay $0x2  }
0x27: {  	v2 =	vld.idx.msk [tilespmem:v0+s19+$0x0], $0xffff;
	_ =	sdelay $0x4  }
0x28: {  	[tilespmem:s5+$0x1100] =	vst v2;
	v3 =	vld.idx.msk [tilespmem:v1+s19+$0x0], $0xffff  }
0x29: {  	v2 =	vld.idx.msk [tilespmem:v0+s13+$0x0], $0xffff;
	_ =	sdelay $0x2  }
0x2a: {  	s8 =	sor.u32 $0x2100, s7  }
0x2b: {  	s9 =	sor.u32 s31, s8;
	[tilespmem:s0+$0x1100] =	vst v3  }
0x2c: {  	[tilespmem:s9+$0x0] =	vst v2;
	v2 =	vld.idx.msk [tilespmem:v1+s13+$0x0], $0xffff  }
0x2d: {  	v0 =	vld.idx.msk [tilespmem:v0+s18+$0x0], $0xffff;
	_ =	sdelay $0x2  }
0x2e: {  	s10 =	sor.u32 $0x3100, s7;
	s3 =	sor.u32 s2, s8  }
0x2f: {  	s11 =	sor.u32 s31, s10;
	[tilespmem:s3+$0x0] =	vst v2  }
0x30: {  	s12 =	simm.s32 $0x20;
	[tilespmem:s11+$0x0] =	vst v0;
	v1 =	vld.idx.msk [tilespmem:v1+s18+$0x0], $0xffff  }
0x31: {  	s14 =	simm.s32 $0x100;
	s17 =	sand.u32 $0x60, s12;
	v0 =	vld [tilespmem:s5+$0x180]  }
0x32: {  	s20 =	sand.u32 $0xC00, s14;
	s4 =	sor.u32 $0x10, s17  }
0x33: {  	s6 =	sor.u32 s20, s4  }
0x34: {  	s21 =	sor.u32 s17, s20;
	s15 =	sor.u32 s2, s10;
	v2 =	vld [tilespmem:s6+$0x80]  }
0x35: {  	[tilespmem:s15+$0x0] =	vst v1;
	v1 =	vld [tilespmem:s21+$0x80]  }
0x36: {  	v4 =	vld [tilespmem:s0+$0x180];
	_ =	sdelay $0x2  }
0x37: {  	v3 =	vld.idx.msk [tilespmem:v0+s19+$0x0], $0xffff;
	_ =	sdelay $0x2  }
0x38: {  	v5 =	vld.idx.msk [tilespmem:v2+s19+$0x0], $0xffff  }
0x39: {  	v6 =	vld.idx.msk [tilespmem:v1+s19+$0x0], $0xffff  }
0x3a: {  	[tilespmem:s5+$0x1180] =	vst v3;
	v7 =	vld.idx.msk [tilespmem:v4+s19+$0x0], $0xffff  }
0x3b: {  	v3 =	vld.idx.msk [tilespmem:v0+s13+$0x0], $0xffff;
	_ =	sdelay $0x1  }
0x3c: {  	[tilespmem:s6+$0x1080] =	vst v5  }
0x3d: {  	s16 =	sor.u32 $0x2180, s7;
	[tilespmem:s21+$0x1080] =	vst v6  }
0x3e: {  	s22 =	sor.u32 s31, s16;
	v5 =	vld.idx.msk [tilespmem:v2+s13+$0x0], $0xffff;
	[tilespmem:s0+$0x1180] =	vst v7  }
0x3f: {  	[tilespmem:s22+$0x0] =	vst v3;
	v3 =	vld.idx.msk [tilespmem:v1+s13+$0x0], $0xffff  }
0x40: {  	v6 =	vld.idx.msk [tilespmem:v4+s13+$0x0], $0xffff  }
0x41: {  	s23 =	sor.u32 $0x2080, s20;
	v0 =	vld.idx.msk [tilespmem:v0+s18+$0x0], $0xffff  }
0x42: {  	s9 =	sor.u32 s4, s23  }
0x43: {  	s8 =	sor.u32 s17, s23;
	[tilespmem:s9+$0x0] =	vst v5  }
0x44: {  	s10 =	sor.u32 $0x3180, s7;
	s3 =	sor.u32 s2, s16;
	v2 =	vld.idx.msk [tilespmem:v2+s18+$0x0], $0xffff;
	[tilespmem:s8+$0x0] =	vst v3  }
0x45: {  	s25 =	sor.u32 s31, s10;
	[tilespmem:s3+$0x0] =	vst v6;
	v1 =	vld.idx.msk [tilespmem:v1+s18+$0x0], $0xffff  }
0x46: {  	[tilespmem:s25+$0x0] =	vst v0;
	v3 =	vld.idx.msk [tilespmem:v4+s18+$0x0], $0xffff  }
0x47: {  	s26 =	sor.u32 $0x3080, s20;
	v0 =	vld [tilespmem:s5+$0x200]  }
0x48: {  	s1 =	sor.u32 s4, s26  }
0x49: {  	[tilespmem:s1+$0x0] =	vst v2;
	s8 =	sor.u32 s17, s26  }
0x4a: {  	s11 =	sor.u32 s2, s10;
	s9 =	sor.u32 s7, s24;
	v2 =	vld [tilespmem:s6+$0x100];
	[tilespmem:s8+$0x0] =	vst v1  }
0x4b: {  	s14 =	sor.u32 $0x180, s9;
	[tilespmem:s11+$0x0] =	vst v3;
	v1 =	vld [tilespmem:s21+$0x100]  }
0x4c: {  	v3 =	vld [tilespmem:s14+$0x80];
	_ =	sdelay $0x2  }
0x4d: {  	v4 =	vld.idx.msk [tilespmem:v0+s19+$0x0], $0xffff;
	_ =	sdelay $0x2  }
0x4e: {  	v5 =	vld.idx.msk [tilespmem:v2+s19+$0x0], $0xffff  }
0x4f: {  	v6 =	vld.idx.msk [tilespmem:v1+s19+$0x0], $0xffff  }
0x50: {  	[tilespmem:s5+$0x1200] =	vst v4;
	v7 =	vld.idx.msk [tilespmem:v3+s19+$0x0], $0xffff  }
0x51: {  	v4 =	vld.idx.msk [tilespmem:v0+s13+$0x0], $0xffff;
	_ =	sdelay $0x1  }
0x52: {  	[tilespmem:s6+$0x1100] =	vst v5  }
0x53: {  	s15 =	sor.u32 $0x2200, s7;
	v5 =	vld.idx.msk [tilespmem:v2+s13+$0x0], $0xffff;
	[tilespmem:s21+$0x1100] =	vst v6  }
0x54: {  	s16 =	sor.u32 s31, s15;
	[tilespmem:s14+$0x1080] =	vst v7  }
0x55: {  	[tilespmem:s16+$0x0] =	vst v4;
	v6 =	vld.idx.msk [tilespmem:v3+s13+$0x0], $0xffff  }
0x56: {  	s22 =	sor.u32 $0x2100, s20;
	v0 =	vld.idx.msk [tilespmem:v0+s18+$0x0], $0xffff  }
0x57: {  	s23 =	sor.u32 s4, s22;
	v4 =	vld.idx.msk [tilespmem:v1+s13+$0x0], $0xffff  }
0x58: {  	[tilespmem:s23+$0x0] =	vst v5  }
0x59: {  	s25 =	sor.u32 $0x3200, s7;
	s8 =	sor.u32 s2, s15;
	v2 =	vld.idx.msk [tilespmem:v2+s18+$0x0], $0xffff  }
0x5a: {  	s26 =	sor.u32 s31, s25;
	[tilespmem:s8+$0x0] =	vst v6  }
0x5b: {  	s1 =	sor.u32 s17, s22;
	[tilespmem:s26+$0x0] =	vst v0;
	v3 =	vld.idx.msk [tilespmem:v3+s18+$0x0], $0xffff  }
0x5c: {  	s9 =	sor.u32 $0x3100, s20;
	s14 =	simm.s32 $0x40;
	[tilespmem:s1+$0x0] =	vst v4;
	v0 =	vld [tilespmem:s5+$0x280]  }
0x5d: {  	s11 =	sor.u32 s4, s9;
	s15 =	simm.s32 $0x200;
	s29 =	sand.u32 $0x60, s14;
	v1 =	vld.idx.msk [tilespmem:v1+s18+$0x0], $0xffff  }
0x5e: {  	s23 =	sand.u32 $0xC00, s15;
	[tilespmem:s11+$0x0] =	vst v2;
	s1 =	sor.u32 $0x10, s29  }
0x5f: {  	s16 =	sor.u32 s2, s25;
	v2 =	vld [tilespmem:s6+$0x180];
	s15 =	sor.u32 s23, s1  }
0x60: {  	[tilespmem:s16+$0x0] =	vst v3;
	v3 =	vld [tilespmem:s15+$0x80]  }
0x61: {  	s3 =	sor.u32 s17, s9;
	s26 =	sor.u32 s29, s23  }
0x62: {  	v6 =	vld [tilespmem:s26+$0x80];
	[tilespmem:s3+$0x0] =	vst v1  }
0x63: {  	v1 =	vld [tilespmem:s21+$0x180]  }
0x64: {  	v4 =	vld.idx.msk [tilespmem:v0+s19+$0x0], $0xffff;
	_ =	sdelay $0x1  }
0x65: {  	v5 =	vld [tilespmem:s0+$0x280]  }
0x66: {  	v7 =	vld.idx.msk [tilespmem:v2+s19+$0x0], $0xffff  }
0x67: {  	v9 =	vld.idx.msk [tilespmem:v3+s19+$0x0], $0xffff  }
0x68: {  	[tilespmem:s5+$0x1280] =	vst v4  }
0x69: {  	v4 =	vld.idx.msk [tilespmem:v0+s13+$0x0], $0xffff  }
0x6a: {  	v8 =	vld.idx.msk [tilespmem:v1+s19+$0x0], $0xffff  }
0x6b: {  	v10 =	vld.idx.msk [tilespmem:v6+s19+$0x0], $0xffff;
	[tilespmem:s6+$0x1180] =	vst v7  }
0x6c: {  	s3 =	sor.u32 $0x2280, s7;
	v7 =	vld.idx.msk [tilespmem:v2+s13+$0x0], $0xffff;
	[tilespmem:s15+$0x1080] =	vst v9  }
0x6d: {  	s22 =	sor.u32 s31, s3;
	v9 =	vld.idx.msk [tilespmem:v3+s13+$0x0], $0xffff  }
0x6e: {  	[tilespmem:s22+$0x0] =	vst v4;
	v4 =	vld.idx.msk [tilespmem:v5+s19+$0x0], $0xffff  }
0x6f: {  	s25 =	sor.u32 $0x2180, s20;
	[tilespmem:s21+$0x1180] =	vst v8;
	v0 =	vld.idx.msk [tilespmem:v0+s18+$0x0], $0xffff  }
0x70: {  	s11 =	sor.u32 s4, s25;
	s16 =	sor.u32 $0x2080, s23;
	[tilespmem:s26+$0x1080] =	vst v10;
	v8 =	vld.idx.msk [tilespmem:v1+s13+$0x0], $0xffff  }
0x71: {  	[tilespmem:s11+$0x0] =	vst v7;
	v7 =	vld.idx.msk [tilespmem:v6+s13+$0x0], $0xffff;
	s11 =	sor.u32 s1, s16  }
0x72: {  	s10 =	sor.u32 $0x3280, s7;
	v2 =	vld.idx.msk [tilespmem:v2+s18+$0x0], $0xffff;
	[tilespmem:s11+$0x0] =	vst v9  }
0x73: {  	s14 =	sor.u32 s31, s10;
	[tilespmem:s0+$0x1280] =	vst v4;
	v3 =	vld.idx.msk [tilespmem:v3+s18+$0x0], $0xffff  }
0x74: {  	s8 =	sor.u32 s17, s25;
	[tilespmem:s14+$0x0] =	vst v0;
	v4 =	vld.idx.msk [tilespmem:v5+s13+$0x0], $0xffff  }
0x75: {  	s22 =	sor.u32 $0x3180, s20;
	[tilespmem:s8+$0x0] =	vst v8;
	v0 =	vld [tilespmem:s5+$0x300]  }
0x76: {  	s25 =	sor.u32 s4, s22;
	v1 =	vld.idx.msk [tilespmem:v1+s18+$0x0], $0xffff  }
0x77: {  	[tilespmem:s25+$0x0] =	vst v2;
	s8 =	sor.u32 s17, s22;
	s22 =	sor.u32 $0x3080, s23;
	s14 =	sor.u32 s29, s16  }
0x78: {  	v2 =	vld [tilespmem:s6+$0x200];
	s25 =	sor.u32 s1, s22;
	[tilespmem:s14+$0x0] =	vst v7  }
0x79: {  	s12 =	simm.s32 $0x20;
	s3 =	sor.u32 s2, s3;
	v6 =	vld.idx.msk [tilespmem:v6+s18+$0x0], $0xffff;
	[tilespmem:s25+$0x0] =	vst v3  }
0x7a: {  	s16 =	sor.u32 s20, s12;
	[tilespmem:s3+$0x0] =	vst v4;
	v3 =	vld [tilespmem:s15+$0x100]  }
0x7b: {  	s9 =	sor.u32 $0x180, s16;
	[tilespmem:s8+$0x0] =	vst v1;
	v4 =	vld.idx.msk [tilespmem:v5+s18+$0x0], $0xffff  }
0x7c: {  	v1 =	vld [tilespmem:s9+$0x80]  }
0x7d: {  	v5 =	vld.idx.msk [tilespmem:v0+s19+$0x0], $0xffff;
	_ =	sdelay $0x1  }
0x7e: {  	s3 =	sor.u32 s29, s22  }
0x7f: {  	s10 =	sor.u32 s2, s10;
	v7 =	vld.idx.msk [tilespmem:v2+s19+$0x0], $0xffff;
	[tilespmem:s3+$0x0] =	vst v6  }
0x80: {  	v6 =	vld [tilespmem:s26+$0x100];
	[tilespmem:s10+$0x0] =	vst v4  }
0x81: {  	v4 =	vld [tilespmem:s0+$0x300];
	[tilespmem:s5+$0x1300] =	vst v5  }
0x82: {  	v5 =	vld.idx.msk [tilespmem:v0+s13+$0x0], $0xffff  }
0x83: {  	v8 =	vld.idx.msk [tilespmem:v1+s19+$0x0], $0xffff  }
0x84: {  	[tilespmem:s6+$0x1200] =	vst v7;
	v9 =	vld.idx.msk [tilespmem:v3+s19+$0x0], $0xffff  }
0x85: {  	s3 =	sor.u32 $0x2300, s7;
	v7 =	vld.idx.msk [tilespmem:v2+s13+$0x0], $0xffff  }
0x86: {  	s11 =	sor.u32 s31, s3  }
0x87: {  	[tilespmem:s11+$0x0] =	vst v5  }
0x88: {  	[tilespmem:s9+$0x1080] =	vst v8;
	s9 =	sor.u32 $0x2200, s20;
	v0 =	vld.idx.msk [tilespmem:v0+s18+$0x0], $0xffff  }
0x89: {  	s12 =	sand.u32 $0x3, s24;
	[tilespmem:s15+$0x1100] =	vst v9;
	v5 =	vld.idx.msk [tilespmem:v6+s19+$0x0], $0xffff;
	s14 =	sor.u32 s4, s9  }
0x8a: {  	s5 =	sshll.u32 s12, $0x5;
	v9 =	vld.idx.msk [tilespmem:v3+s13+$0x0], $0xffff;
	[tilespmem:s14+$0x0] =	vst v7  }
0x8b: {  	s12 =	sor.u32 $0x3300, s7;
	s8 =	sadd.s32 $0x0, s5;
	v2 =	vld.idx.msk [tilespmem:v2+s18+$0x0], $0xffff  }
0x8c: {  	s16 =	sor.u32 s31, s12;
	v8 =	vld.idx.msk [tilespmem:v1+s13+$0x0], $0xffff;
	s11 =	sadd.s32 $0x10, s8  }
0x8d: {  	s22 =	sor.u32 $0x2100, s23;
	s5 =	sor.u32 $0x300, s11;
	v7 =	vld.idx.msk [tilespmem:v4+s19+$0x0], $0xffff;
	[tilespmem:s16+$0x0] =	vst v0  }
0x8e: {  	s14 =	sor.u32 s1, s22;
	[tilespmem:s26+$0x1100] =	vst v5;
	s16 =	sor.u32 $0x3200, s20;
	v0 =	vld [tilespmem:s5+$0x80]  }
0x8f: {  	[tilespmem:s14+$0x0] =	vst v9;
	v5 =	vld.idx.msk [tilespmem:v6+s13+$0x0], $0xffff;
	s25 =	sor.u32 s4, s16  }
0x90: {  	[tilespmem:s25+$0x0] =	vst v2;
	v2 =	vld.idx.msk [tilespmem:v3+s18+$0x0], $0xffff  }
0x91: {  	s9 =	sor.u32 s17, s9  }
0x92: {  	[tilespmem:s9+$0x0] =	vst v8;
	v3 =	vld [tilespmem:s6+$0x280]  }
0x93: {  	s10 =	sor.u32 $0x3100, s23;
	s9 =	sor.u32 s29, s22;
	v1 =	vld.idx.msk [tilespmem:v1+s18+$0x0], $0xffff;
	[tilespmem:s0+$0x1300] =	vst v7  }
0x94: {  	s14 =	sor.u32 s1, s10;
	[tilespmem:s9+$0x0] =	vst v5;
	v5 =	vld.idx.msk [tilespmem:v4+s13+$0x0], $0xffff  }
0x95: {  	[tilespmem:s14+$0x0] =	vst v2;
	v2 =	vld.idx.msk [tilespmem:v6+s18+$0x0], $0xffff  }
0x96: {  	v7 =	vld.idx.msk [tilespmem:v0+s19+$0x0], $0xffff  }
0x97: {  	s16 =	sor.u32 s17, s16  }
0x98: {  	s22 =	sor.u32 s2, s3;
	[tilespmem:s16+$0x0] =	vst v1;
	v1 =	vld [tilespmem:s15+$0x180]  }
0x99: {  	s10 =	sor.u32 s29, s10;
	v6 =	vld [tilespmem:s21+$0x280];
	[tilespmem:s22+$0x0] =	vst v5  }
0x9a: {  	s25 =	simm.s32 $0x60;
	v8 =	vld.idx.msk [tilespmem:v3+s19+$0x0], $0xffff;
	[tilespmem:s10+$0x0] =	vst v2  }
0x9b: {  	s9 =	sand.u32 $0x60, s25;
	s14 =	simm.s32 $0x300;
	v2 =	vld.idx.msk [tilespmem:v4+s18+$0x0], $0xffff;
	[tilespmem:s5+$0x1080] =	vst v7  }
0x9c: {  	s25 =	sor.u32 $0x10, s9;
	s5 =	smov.u32 s26;
	s26 =	sand.u32 $0xC00, s14;
	v5 =	vld.idx.msk [tilespmem:v0+s13+$0x0], $0xffff  }
0x9d: {  	v4 =	vld [tilespmem:s5+$0x180];
	s22 =	sor.u32 s26, s25  }
0x9e: {  	s3 =	sor.u32 s9, s26;
	v7 =	vld [tilespmem:s22+$0x80]  }
0x9f: {  	v9 =	vld [tilespmem:s3+$0x80]  }
0xa0: {  	s12 =	sor.u32 s2, s12;
	s10 =	sor.u32 $0x2380, s7;
	v10 =	vld.idx.msk [tilespmem:v1+s19+$0x0], $0xffff;
	[tilespmem:s6+$0x1280] =	vst v8  }
0xa1: {  	s16 =	sor.u32 s31, s10;
	[tilespmem:s12+$0x0] =	vst v2;
	v2 =	vld.idx.msk [tilespmem:v6+s19+$0x0], $0xffff  }
0xa2: {  	[tilespmem:s16+$0x0] =	vst v5;
	v5 =	vld.idx.msk [tilespmem:v3+s13+$0x0], $0xffff  }
0xa3: {  	s12 =	sor.u32 $0x300, s8;
	v0 =	vld.idx.msk [tilespmem:v0+s18+$0x0], $0xffff  }
0xa4: {  	v8 =	vld [tilespmem:s12+$0x80]  }
0xa5: {  	s14 =	sor.u32 $0x2280, s20;
	v11 =	vld.idx.msk [tilespmem:v4+s19+$0x0], $0xffff  }
0xa6: {  	s0 =	smov.u32 s1;
	s1 =	sor.u32 s4, s14;
	s8 =	sor.u32 $0x3380, s7;
	[tilespmem:s15+$0x1180] =	vst v10;
	v12 =	vld.idx.msk [tilespmem:v7+s19+$0x0], $0xffff  }
0xa7: {  	[tilespmem:s1+$0x0] =	vst v5;
	v5 =	vld.idx.msk [tilespmem:v1+s13+$0x0], $0xffff;
	s1 =	sor.u32 s31, s8  }
0xa8: {  	[tilespmem:s1+$0x0] =	vst v0;
	v0 =	vld.idx.msk [tilespmem:v3+s18+$0x0], $0xffff  }
0xa9: {  	s11 =	sor.u32 $0x380, s11;
	[tilespmem:s21+$0x1280] =	vst v2;
	v2 =	vld.idx.msk [tilespmem:v9+s19+$0x0], $0xffff  }
0xaa: {  	s16 =	sor.u32 $0x2180, s23;
	v3 =	vld [tilespmem:s11+$0x80];
	[tilespmem:s5+$0x1180] =	vst v11  }
0xab: {  	s28 =	sor.u32 $0x3280, s20;
	s1 =	sor.u32 s0, s16;
	[tilespmem:s22+$0x1080] =	vst v12;
	v11 =	vld.idx.msk [tilespmem:v4+s13+$0x0], $0xffff  }
0xac: {  	s30 =	simm.s32 $0x20;
	[tilespmem:s1+$0x0] =	vst v5;
	v5 =	vld.idx.msk [tilespmem:v7+s13+$0x0], $0xffff;
	s1 =	sor.u32 s4, s28  }
0xad: {  	[tilespmem:s1+$0x0] =	vst v0;
	v0 =	vld.idx.msk [tilespmem:v1+s30+$0x0], $0xffff  }
0xae: {  	v10 =	vld.idx.msk [tilespmem:v6+s13+$0x0], $0xffff  }
0xaf: {  	s16 =	sor.u32 s29, s16;
	s18 =	sor.u32 $0x2080, s26;
	[tilespmem:s3+$0x1080] =	vst v2;
	v62 =	vld [tilespmem:s6+$0x300]  }
0xb0: {  	v2 =	vld.idx.msk [tilespmem:v9+s13+$0x0], $0xffff;
	s1 =	sor.u32 $0x3180, s23;
	[tilespmem:s16+$0x0] =	vst v11;
	s16 =	sor.u32 s25, s18  }
0xb1: {  	[tilespmem:s16+$0x0] =	vst v5;
	v4 =	vld.idx.msk [tilespmem:v4+s30+$0x0], $0xffff;
	s16 =	sor.u32 s0, s1  }
0xb2: {  	s14 =	sor.u32 s17, s14;
	[tilespmem:s16+$0x0] =	vst v0;
	v0 =	vld.idx.msk [tilespmem:v7+s30+$0x0], $0xffff  }
0xb3: {  	[tilespmem:s14+$0x0] =	vst v10;
	v7 =	vld.idx.msk [tilespmem:v3+s19+$0x0], $0xffff  }
0xb4: {  	v6 =	vld.idx.msk [tilespmem:v6+s30+$0x0], $0xffff;
	s18 =	sor.u32 s9, s18;
	s16 =	simm.s32 $0x40  }
0xb5: {  	[tilespmem:s18+$0x0] =	vst v2;
	s1 =	sor.u32 s29, s1;
	v5 =	vld [tilespmem:s15+$0x200];
	s14 =	sor.u32 s23, s16;
	s16 =	sor.u32 $0x3080, s26  }
0xb6: {  	v1 =	vld.idx.msk [tilespmem:v8+s19+$0x0], $0xffff;
	s18 =	sor.u32 s25, s16;
	[tilespmem:s1+$0x0] =	vst v4  }
0xb7: {  	v2 =	vld.idx.msk [tilespmem:v62+s19+$0x0], $0xffff;
	[tilespmem:s18+$0x0] =	vst v0  }
0xb8: {  	s1 =	sor.u32 $0x180, s14;
	v4 =	vld.idx.msk [tilespmem:v9+s30+$0x0], $0xffff;
	[tilespmem:s11+$0x1080] =	vst v7  }
0xb9: {  	v9 =	vld [tilespmem:s1+$0x80];
	[dreg:$0x19] =	wrdreg s22  }
0xba: {  	v7 =	vld [tilespmem:s22+$0x100]  }
0xbb: {  	s18 =	sor.u32 s17, s28;
	v10 =	vld.idx.msk [tilespmem:v3+s13+$0x0], $0xffff;
	[tilespmem:s12+$0x1080] =	vst v1  }
0xbc: {  	[tilespmem:s18+$0x0] =	vst v6;
	v6 =	vld.idx.msk [tilespmem:v8+s13+$0x0], $0xffff  }
0xbd: {  	s16 =	sor.u32 s9, s16;
	[tilespmem:s6+$0x1300] =	vst v2;
	v0 =	vld.idx.msk [tilespmem:v5+s19+$0x0], $0xffff  }
0xbe: {  	[tilespmem:s16+$0x0] =	vst v4;
	v2 =	vld.idx.msk [tilespmem:v62+s13+$0x0], $0xffff  }
0xbf: {  	v4 =	vld [tilespmem:s3+$0x100]  }
0xc0: {  	v1 =	vld [tilespmem:s21+$0x300]  }
0xc1: {  	s6 =	sor.u32 $0x2300, s20;
	v11 =	vld.idx.msk [tilespmem:v9+s19+$0x0], $0xffff  }
0xc2: {  	s14 =	smov.u32 s21;
	s21 =	sor.u32 s4, s6;
	[tilespmem:s15+$0x1200] =	vst v0;
	v0 =	vld.idx.msk [tilespmem:v7+s19+$0x0], $0xffff  }
0xc3: {  	s10 =	sor.u32 s2, s10;
	[tilespmem:s21+$0x0] =	vst v2;
	v2 =	vld.idx.msk [tilespmem:v5+s13+$0x0], $0xffff  }
0xc4: {  	s16 =	simm.s32 $0x1;
	[tilespmem:s10+$0x0] =	vst v6;
	v6 =	vld.idx.msk [tilespmem:v62+s30+$0x0], $0xffff  }
0xc5: {  	s12 =	simm.s32 $0x1;
	v8 =	vld.idx.msk [tilespmem:v8+s30+$0x0], $0xffff;
	[dreg:$0x8] =	wrdreg s16  }
0xc6: {  	s18 =	sand.u32 $0x3, s12;
	s10 =	sor.u32 $0x2200, s23;
	[tilespmem:s1+$0x1080] =	vst v11  }
0xc7: {  	s21 =	sshll.u32 s18, $0x5;
	s16 =	sor.u32 $0x3300, s20;
	v11 =	vld.idx.msk [tilespmem:v4+s19+$0x0], $0xffff;
	[tilespmem:s22+$0x1100] =	vst v0;
	s22 =	sor.u32 s0, s10  }
0xc8: {  	s1 =	sadd.s32 $0x100, s21;
	v63 =	vld.idx.msk [tilespmem:v9+s13+$0x0], $0xffff;
	[tilespmem:s22+$0x0] =	vst v2;
	s22 =	smov.u32 s4;
	s4 =	sor.u32 s4, s16  }
0xc9: {  	s8 =	sor.u32 s2, s8;
	s12 =	sadd.s32 $0x10, s1;
	v13 =	vld.idx.msk [tilespmem:v7+s13+$0x0], $0xffff;
	[tilespmem:s4+$0x0] =	vst v6  }
0xca: {  	s18 =	sor.u32 s24, s24;
	s21 =	smov.u32 s20;
	v5 =	vld.idx.msk [tilespmem:v5+s30+$0x0], $0xffff;
	[dreg:$0xb] =	wrdreg s12  }
0xcb: {  	s20 =	sor.u32 $0x380, s18;
	s18 =	sor.u32 $0x3200, s23;
	s11 =	sor.u32 $0x300, s12;
	[tilespmem:s8+$0x0] =	vst v8  }
0xcc: {  	s24 =	sor.u32 s29, s10;
	s28 =	sor.u32 s0, s18;
	s10 =	sor.u32 $0x2100, s26;
	v2 =	vld [tilespmem:s11+$0x80];
	[tilespmem:s3+$0x1100] =	vst v11  }
0xcd: {  	s4 =	smov.u32 s15;
	s12 =	sor.u32 s25, s10;
	v6 =	vld.idx.msk [tilespmem:v1+s19+$0x0], $0xffff;
	[dreg:$0x4] =	wrdreg s20  }
0xce: {  	s10 =	sor.u32 s9, s10;
	s8 =	sadd.s32 $0x2400, s7;
	s7 =	sadd.s32 $0x3400, s7;
	v0 =	vld [tilespmem:s20+$0x80];
	[tilespmem:s24+$0x0] =	vst v63  }
0xcf: {  	v8 =	vld.idx.msk [tilespmem:v4+s13+$0x0], $0xffff;
	s24 =	smov.u32 s23;
	[tilespmem:s12+$0x0] =	vst v13;
	s20 =	simm.s32 $0x100;
	s23 =	simm.s32 $0x20  }
0xd0: {  	s12 =	sor.u32 s29, s18;
	s18 =	simm.s32 $0x20;
	v9 =	vld.idx.msk [tilespmem:v9+s30+$0x0], $0xffff;
	[tilespmem:s28+$0x0] =	vst v5;
	s28 =	sor.u32 s31, s8  }
0xd1: {  	s8 =	sor.u32 s2, s8;
	s2 =	sor.u32 s2, s7;
	[tilespmem:s28+$0x0] =	vst v10;
	v5 =	vld [tilespmem:s15+$0x280];
	s15 =	sor.u32 s20, s23  }
0xd2: {  	v7 =	vld.idx.msk [tilespmem:v7+s30+$0x0], $0xffff;
	s20 =	smov.u32 s9;
	s23 =	smov.u32 s29;
	s9 =	smov.u32 s25;
	[tilespmem:s14+$0x1300] =	vst v6  }
0xd3: {  	v3 =	vld.idx.msk [tilespmem:v3+s30+$0x0], $0xffff;
	s30 =	smov.u32 s3;
	s14 =	sor.u32 s31, s7;
	[dreg:$0x5] =	wrdreg s8  }
0xd4: {  	s3 =	sor.u32 $0x380, s15;
	s15 =	simm.s32 $0x200;
	[dreg:$0xa] =	wrdreg s2  }
0xd5: {  	s7 =	simm.s32 $0x40;
	s31 =	smov.u32 s20;
	[tilespmem:s10+$0x0] =	vst v8;
	s10 =	sor.u32 $0x3100, s26  }
0xd6: {  	v6 =	vld.idx.msk [tilespmem:v1+s13+$0x0], $0xffff;
	[tilespmem:s12+$0x0] =	vst v9;
	s8 =	sor.u32 s25, s10;
	s25 =	smov.u32 s26;
	s12 =	simm.s32 $0x60  }
0xd7: {  	v10 =	vld.idx.msk [tilespmem:v2+s19+$0x0], $0xffff;
	[dreg:$0x7] =	wrdreg s3;
	s13 =	sor.u32 s26, s12;
	s26 =	simm.s32 $0x300  }
0xd8: {  	s2 =	sor.u32 s15, s7;
	s7 =	sor.u32 s17, s6;
	[tilespmem:s8+$0x0] =	vst v7;
	s3 =	sor.u32 s26, s12  }
0xd9: {  	v9 =	vld.idx.msk [tilespmem:v4+s18+$0x0], $0xffff;
	s29 =	sor.u32 $0x180, s13;
	s12 =	sor.u32 $0x380, s3;
	s13 =	rddreg [dreg:$0x19]  }
0xda: {  	s6 =	smov.u32 s17;
	s28 =	sor.u32 $0x380, s2;
	v4 =	vld [tilespmem:s5+$0x280];
	[dreg:$0x6] =	wrdreg s12  }
0xdb: {  	s8 =	simm.s32 $0x300;
	s26 =	sor.u32 $0x300, s1;
	s3 =	sor.u32 s20, s10;
	v7 =	vld [tilespmem:s13+$0x180];
	[tilespmem:s14+$0x0] =	vst v3  }
0xdc: {  	s10 =	simm.s32 $0x6;
	s20 =	simm.s32 $0x300;
	s12 =	smov.u32 s13;
	v3 =	vld.idx.msk [tilespmem:v0+s19+$0x0], $0xffff;
	[tilespmem:s11+$0x1080] =	vst v10  }
0xdd: {  	s14 =	sor.u32 s17, s16;
	v8 =	vld.idx.msk [tilespmem:v5+s19+$0x0], $0xffff;
	s16 =	simm.s32 $0x80;
	[dreg:$0x9] =	wrdreg s20  }
.LBB2_3:
0xde: {  	[dreg:$0x12] =	wrdreg s29  }
0xdf: {  	[dreg:$0xf] =	wrdreg s15;
	s15 =	sand.u32 $0x60, s16  }
0xe0: {  	s10 =	sadd.s32 $0x2, s10;
	s20 =	simm.s32 $0x10;
	s11 =	rddreg [dreg:$0x4];
	[tilespmem:s7+$0x0] =	vst v6  }
0xe1: {  	s29 =	sadd.s32 $0x100, s8;
	s13 =	smov.u32 s30;
	s8 =	rddreg [dreg:$0x7];
	v6 =	vld.idx.msk [tilespmem:v2+s20+$0x0], $0xffff;
	[tilespmem:s3+$0x0] =	vst v9  }
0xe2: {  	[dreg:$0xc] =	wrdreg s10;
	s2 =	sand.u32 $0xC00, s29;
	s1 =	sor.u32 $0x10, s15;
	v1 =	vld.idx.msk [tilespmem:v1+s18+$0x0], $0xffff  }
0xe3: {  	p0 =	slt.u32 s10, $0x1E;
	s7 =	sor.u32 s2, s1;
	s18 =	sor.u32 s2, s16;
	v9 =	vld [tilespmem:s30+$0x180]  }
0xe4: {  	s17 =	sor.u32 s15, s2;
	v10 =	vld [tilespmem:s7+$0x80];
	s30 =	simm.s32 $0x20;
	s3 =	sor.u32 $0x180, s18  }
0xe5: {  	v11 =	vld [tilespmem:s17+$0x80];
	[tilespmem:s11+$0x1080] =	vst v3;
	s18 =	sor.u32 $0x2380, s21;
	[dreg:$0xe] =	wrdreg s3;
	s3 =	sor.u32 s29, s16  }
0xe6: {  	v3 =	vld.idx.msk [tilespmem:v7+s19+$0x0], $0xffff;
	[tilespmem:s4+$0x1280] =	vst v8;
	s11 =	sor.u32 s6, s18;
	s18 =	sor.u32 s22, s18;
	s10 =	sor.u32 $0x380, s3  }
0xe7: {  	v8 =	vld.idx.msk [tilespmem:v5+s20+$0x0], $0xffff;
	s3 =	smov.u32 s21;
	s21 =	smov.u32 s8;
	s8 =	smov.u32 s28;
	[tilespmem:s18+$0x0] =	vst v6  }
0xe8: {  	[dreg:$0x7] =	wrdreg s8;
	[tilespmem:s14+$0x0] =	vst v1;
	v1 =	vld.idx.msk [tilespmem:v2+s30+$0x0], $0xffff  }
0xe9: {  	s8 =	rddreg [dreg:$0x6];
	v6 =	vld.idx.msk [tilespmem:v4+s19+$0x0], $0xffff  }
0xea: {  	[dreg:$0x4] =	wrdreg s21;
	s21 =	smov.u32 s8;
	v2 =	vld [tilespmem:s26+$0x80]  }
0xeb: {  	s8 =	sor.u32 $0x2280, s24;
	[dreg:$0xd] =	wrdreg s21;
	s21 =	smov.u32 s10;
	v12 =	vld.idx.msk [tilespmem:v9+s19+$0x0], $0xffff  }
0xec: {  	s28 =	sor.u32 $0x3380, s3;
	s10 =	sor.u32 s0, s8;
	[dreg:$0x6] =	wrdreg s21;
	v13 =	vld.idx.msk [tilespmem:v10+s19+$0x0], $0xffff;
	[tilespmem:s12+$0x1180] =	vst v3  }
0xed: {  	s14 =	sor.u32 s6, s28;
	s28 =	sor.u32 s22, s28;
	s21 =	rddreg [dreg:$0xb];
	v3 =	vld.idx.msk [tilespmem:v7+s20+$0x0], $0xffff;
	[tilespmem:s10+$0x0] =	vst v8  }
0xee: {  	[dreg:$0x11] =	wrdreg s14;
	s14 =	sor.u32 $0x380, s21;
	v5 =	vld.idx.msk [tilespmem:v5+s30+$0x0], $0xffff;
	[tilespmem:s28+$0x0] =	vst v1  }
0xef: {  	[dreg:$0x10] =	wrdreg s13;
	[tilespmem:s5+$0x1280] =	vst v6;
	v1 =	vld [tilespmem:s14+$0x80]  }
0xf0: {  	s18 =	sor.u32 s23, s8;
	s8 =	smov.u32 s25;
	s28 =	sor.u32 $0x2180, s25;
	v6 =	vld.idx.msk [tilespmem:v11+s19+$0x0], $0xffff;
	[tilespmem:s13+$0x1180] =	vst v12  }
0xf1: {  	s25 =	smov.u32 s22;
	s22 =	smov.u32 s6;
	s6 =	sor.u32 $0x3280, s24;
	v8 =	vld.idx.msk [tilespmem:v4+s20+$0x0], $0xffff  }
0xf2: {  	[tilespmem:s7+$0x1080] =	vst v13;
	s19 =	sor.u32 s31, s28;
	s28 =	sor.u32 s9, s28;
	s13 =	simm.s32 $0x10;
	v12 =	vld.idx.msk [tilespmem:v9+s20+$0x0], $0xffff  }
0xf3: {  	v13 =	vld.idx.msk [tilespmem:v10+s13+$0x0], $0xffff;
	[tilespmem:s28+$0x0] =	vst v3;
	s20 =	sor.u32 s0, s6  }
0xf4: {  	v3 =	vld.idx.msk [tilespmem:v7+s30+$0x0], $0xffff;
	[tilespmem:s20+$0x0] =	vst v5  }
0xf5: {  	s10 =	simm.s32 $0x0;
	v5 =	vld [tilespmem:s4+$0x300];
	[tilespmem:s17+$0x1080] =	vst v6  }
0xf6: {  	s28 =	sor.u32 s23, s6;
	s6 =	sor.u32 $0x2080, s2;
	v6 =	vld.idx.msk [tilespmem:v2+s10+$0x0], $0xffff  }
0xf7: {  	s20 =	sor.u32 s1, s6;
	[tilespmem:s18+$0x0] =	vst v8;
	v7 =	vld.idx.msk [tilespmem:v1+s10+$0x0], $0xffff  }
0xf8: {  	s18 =	sor.u32 s15, s6;
	s6 =	sor.u32 $0x3180, s8;
	[tilespmem:s20+$0x0] =	vst v13;
	v8 =	vld.idx.msk [tilespmem:v11+s13+$0x0], $0xffff  }
0xf9: {  	[tilespmem:s19+$0x0] =	vst v12;
	s19 =	sor.u32 s9, s6;
	v10 =	vld.idx.msk [tilespmem:v10+s30+$0x0], $0xffff  }
0xfa: {  	v9 =	vld.idx.msk [tilespmem:v9+s30+$0x0], $0xffff;
	[tilespmem:s19+$0x0] =	vst v3  }
0xfb: {  	v3 =	vld [tilespmem:s12+$0x200]  }
0xfc: {  	v4 =	vld.idx.msk [tilespmem:v4+s30+$0x0], $0xffff;
	[tilespmem:s26+$0x1080] =	vst v6  }
0xfd: {  	v6 =	vld.idx.msk [tilespmem:v5+s10+$0x0], $0xffff;
	[tilespmem:s14+$0x1080] =	vst v7  }
0xfe: {  	s20 =	sor.u32 s31, s6;
	[tilespmem:s18+$0x0] =	vst v8;
	s18 =	sor.u32 $0x3080, s2;
	v7 =	vld.idx.msk [tilespmem:v1+s13+$0x0], $0xffff  }
0xff: {  	s13 =	rddreg [dreg:$0x12];
	v8 =	vld.idx.msk [tilespmem:v11+s30+$0x0], $0xffff;
	s6 =	sor.u32 s1, s18;
	[tilespmem:s20+$0x0] =	vst v9  }
0x100: {  	[tilespmem:s6+$0x0] =	vst v10;
	v9 =	vld [tilespmem:s13+$0x80]  }
0x101: {  	s21 =	smov.u32 s3;
	s3 =	smov.u32 s9;
	s9 =	simm.s32 $0x10;
	[tilespmem:s28+$0x0] =	vst v4;
	v10 =	vld [tilespmem:s7+$0x100]  }
0x102: {  	s20 =	sadd.s32 $0x2400, s21;
	v4 =	vld.idx.msk [tilespmem:v2+s9+$0x0], $0xffff  }
0x103: {  	s6 =	sor.u32 s25, s20;
	v11 =	vld.idx.msk [tilespmem:v3+s10+$0x0], $0xffff;
	[tilespmem:s4+$0x1300] =	vst v6  }
0x104: {  	s26 =	sor.u32 $0x2300, s24;
	s19 =	sor.u32 s15, s18;
	v6 =	vld.idx.msk [tilespmem:v5+s9+$0x0], $0xffff;
	[tilespmem:s6+$0x0] =	vst v7  }
0x105: {  	s18 =	sor.u32 s22, s20;
	s28 =	smov.u32 s7;
	s20 =	smov.u32 s15;
	[tilespmem:s19+$0x0] =	vst v8;
	v7 =	vld.idx.msk [tilespmem:v1+s30+$0x0], $0xffff  }
0x106: {  	s7 =	sor.u32 s23, s26;
	s4 =	smov.u32 s12;
	s12 =	sadd.s32 $0x3400, s21;
	v8 =	vld [tilespmem:s17+$0x100]  }
0x107: {  	s6 =	sor.u32 s0, s26;
	s14 =	sor.u32 s25, s12;
	s25 =	smov.u32 s23;
	v1 =	vld [tilespmem:s5+$0x300]  }
0x108: {  	s19 =	smov.u32 s24;
	s26 =	rddreg [dreg:$0x8];
	s23 =	smov.u32 s8;
	v12 =	vld.idx.msk [tilespmem:v9+s10+$0x0], $0xffff;
	[tilespmem:s11+$0x0] =	vst v4  }
0x109: {  	s8 =	smov.u32 s0;
	s0 =	smov.u32 s3;
	s21 =	smov.u32 s19;
	v4 =	vld.idx.msk [tilespmem:v10+s10+$0x0], $0xffff;
	[tilespmem:s4+$0x1200] =	vst v11  }
0x10a: {  	s15 =	sor.u32 $0x3300, s19;
	s11 =	sor.u32 s22, s12;
	s22 =	sor.u32 $0x2200, s23;
	v11 =	vld.idx.msk [tilespmem:v3+s9+$0x0], $0xffff  }
0x10b: {  	s12 =	smov.u32 s31;
	s31 =	smov.u32 s2;
	s24 =	sor.u32 s0, s22;
	[tilespmem:s6+$0x0] =	vst v6;
	v6 =	vld.idx.msk [tilespmem:v2+s30+$0x0], $0xffff  }
0x10c: {  	s19 =	sor.u32 s12, s22;
	s22 =	smov.u32 s8;
	s6 =	sadd.s32 $0x1, s26;
	v5 =	vld.idx.msk [tilespmem:v5+s30+$0x0], $0xffff  }
0x10d: {  	s8 =	sor.u32 s8, s15;
	[tilespmem:s14+$0x0] =	vst v7;
	[dreg:$0x8] =	wrdreg s6;
	s6 =	sand.u32 $0x3, s6;
	v7 =	vld.idx.msk [tilespmem:v0+s9+$0x0], $0xffff  }
0x10e: {  	s26 =	rddreg [dreg:$0xf];
	s14 =	sor.u32 s25, s15;
	s2 =	sshll.u32 s6, $0x5;
	v60 =	vld.idx.msk [tilespmem:v8+s10+$0x0], $0xffff;
	[tilespmem:s13+$0x1080] =	vst v12  }
0x10f: {  	s6 =	smov.u32 s25;
	s25 =	rddreg [dreg:$0x9];
	s2 =	sadd.s32 s2, s26;
	[tilespmem:s28+$0x1100] =	vst v4;
	v4 =	vld.idx.msk [tilespmem:v9+s9+$0x0], $0xffff  }
0x110: {  	s15 =	smov.u32 s25;
	s25 =	rddreg [dreg:$0x5];
	s3 =	sadd.s32 $0x10, s2;
	v61 =	vld.idx.msk [tilespmem:v10+s9+$0x0], $0xffff;
	[tilespmem:s24+$0x0] =	vst v11  }
0x111: {  	s13 =	smov.u32 s1;
	s1 =	sor.u32 $0x300, s3;
	s24 =	rddreg [dreg:$0x11];
	v3 =	vld.idx.msk [tilespmem:v3+s30+$0x0], $0xffff;
	[tilespmem:s8+$0x0] =	vst v5  }
0x112: {  	[dreg:$0xb] =	wrdreg s3;
	[tilespmem:s24+$0x0] =	vst v6;
	v2 =	vld [tilespmem:s1+$0x80]  }
0x113: {  	s26 =	sor.u32 $0x300, s2;
	s3 =	smov.u32 s29;
	s24 =	rddreg [dreg:$0xe];
	v6 =	vld.idx.msk [tilespmem:v1+s10+$0x0], $0xffff;
	[tilespmem:s25+$0x0] =	vst v7  }
0x114: {  	s8 =	smov.u32 s29;
	s29 =	smov.u32 s24;
	s24 =	rddreg [dreg:$0x4];
	[tilespmem:s17+$0x1100] =	vst v60  }
0x115: {  	[dreg:$0x9] =	wrdreg s3;
	s3 =	smov.u32 s18;
	s10 =	sor.u32 $0x2100, s31;
	v7 =	vld [tilespmem:s24+$0x80]  }
0x116: {  	s18 =	simm.s32 $0x20;
	s25 =	sor.u32 $0x3200, s23;
	s2 =	sor.u32 s13, s10;
	v11 =	vld.idx.msk [tilespmem:v8+s9+$0x0], $0xffff;
	[tilespmem:s19+$0x0] =	vst v4  }
0x117: {  	[dreg:$0x5] =	wrdreg s3;
	s3 =	sor.u32 s20, s10;
	s10 =	sor.u32 s0, s25;
	[tilespmem:s2+$0x0] =	vst v61;
	v4 =	vld.idx.msk [tilespmem:v9+s18+$0x0], $0xffff  }
0x118: {  	v10 =	vld.idx.msk [tilespmem:v10+s18+$0x0], $0xffff;
	[tilespmem:s10+$0x0] =	vst v3  }
0x119: {  	s30 =	smov.u32 s17;
	v5 =	vld [tilespmem:s4+$0x280];
	[tilespmem:s5+$0x1300] =	vst v6  }
0x11a: {  	s17 =	rddreg [dreg:$0xa];
	s19 =	simm.s32 $0x0;
	s24 =	smov.u32 s23;
	v62 =	vld.idx.msk [tilespmem:v0+s18+$0x0], $0xffff  }
0x11b: {  	s23 =	smov.u32 s12;
	s2 =	sor.u32 s12, s25;
	s12 =	sor.u32 $0x3100, s31;
	v0 =	vmov v7;
	[tilespmem:s3+$0x0] =	vst v11;
	v63 =	vld.idx.msk [tilespmem:v2+s19+$0x0], $0xffff  }
0x11c: {  	s25 =	rddreg [dreg:$0x10];
	s10 =	sor.u32 s13, s12;
	v6 =	vld.idx.msk [tilespmem:v1+s9+$0x0], $0xffff  }
.Ltmp0:
0x11d: {  	s5 =	smov.u32 s25;
	s25 =	smov.u32 s31;
	v9 =	vld.idx.msk [tilespmem:v8+s18+$0x0], $0xffff;
	[tilespmem:s2+$0x0] =	vst v4;
	(pc) =	sbr.rel @p0 .LBB2_3-.Ltmp0, $4  }
0x11e: {  	s31 =	smov.u32 s20;
	s3 =	sor.u32 s20, s12;
	s20 =	smov.u32 s11;
	[tilespmem:s10+$0x0] =	vst v10;
	v4 =	vld [tilespmem:s5+$0x280]  }
0x11f: {  	[dreg:$0xa] =	wrdreg s20;
	v7 =	vld [tilespmem:s28+$0x180]  }
0x120: {  	s16 =	sadd.s32 $0x20, s16;
	s10 =	rddreg [dreg:$0xc];
	v3 =	vld.idx.msk [tilespmem:v0+s19+$0x0], $0xffff;
	[tilespmem:s17+$0x0] =	vst v62  }
0x121: {  	s12 =	smov.u32 s28;
	s9 =	smov.u32 s13;
	s28 =	rddreg [dreg:$0xd];
	v8 =	vld.idx.msk [tilespmem:v5+s19+$0x0], $0xffff;
	[tilespmem:s1+$0x1080] =	vst v63  }
0x122: {  	[tilespmem:s3+$0x0] =	vst v9  }
0x123: {  	v9 =	vld [tilespmem:s30+$0x180];
	_ =	sdelay $0x6  }
0x124: {  	v10 =	vld.idx.msk [tilespmem:v7+s19+$0x0], $0xffff  }
0x125: {  	v11 =	vld.idx.msk [tilespmem:v9+s19+$0x0], $0xffff;
	_ =	sdelay $0x3  }
0x126: {  	s8 =	smov.u32 s12;
	[tilespmem:s12+$0x1180] =	vst v10;
	s12 =	simm.s32 $0x10  }
0x127: {  	v10 =	vld.idx.msk [tilespmem:v7+s12+$0x0], $0xffff;
	[tilespmem:s30+$0x1180] =	vst v11  }
0x128: {  	v11 =	vld.idx.msk [tilespmem:v9+s12+$0x0], $0xffff;
	_ =	sdelay $0x1  }
0x129: {  	s1 =	sor.u32 $0x2180, s25  }
0x12a: {  	s2 =	sor.u32 s9, s1  }
0x12b: {  	s1 =	sor.u32 s31, s1;
	[tilespmem:s2+$0x0] =	vst v10  }
0x12c: {  	v32 =	vld.idx.msk [tilespmem:v7+s18+$0x0], $0xffff;
	[tilespmem:s1+$0x0] =	vst v11  }
0x12d: {  	v9 =	vld.idx.msk [tilespmem:v9+s18+$0x0], $0xffff  }
0x12e: {  	s11 =	smov.u32 s25  }
0x12f: {  	s17 =	sor.u32 $0x3180, s11  }
0x130: {  	s20 =	sor.u32 s9, s17  }
0x131: {  	[tilespmem:s20+$0x0] =	vst v32;
	s1 =	sor.u32 s31, s17  }
0x132: {  	v7 =	vld [tilespmem:s8+$0x200];
	[tilespmem:s1+$0x0] =	vst v9  }
0x133: {  	v9 =	vld [tilespmem:s29+$0x80];
	_ =	sdelay $0x6  }
0x134: {  	v10 =	vld.idx.msk [tilespmem:v7+s19+$0x0], $0xffff  }
0x135: {  	v11 =	vld.idx.msk [tilespmem:v9+s19+$0x0], $0xffff;
	_ =	sdelay $0x3  }
0x136: {  	[tilespmem:s8+$0x1200] =	vst v10  }
0x137: {  	v10 =	vld.idx.msk [tilespmem:v7+s12+$0x0], $0xffff;
	[tilespmem:s29+$0x1080] =	vst v11  }
0x138: {  	v11 =	vld.idx.msk [tilespmem:v9+s12+$0x0], $0xffff;
	_ =	sdelay $0x1  }
0x139: {  	s29 =	sor.u32 $0x2200, s11  }
0x13a: {  	s3 =	sor.u32 s9, s29  }
0x13b: {  	s1 =	sor.u32 s31, s29;
	[tilespmem:s3+$0x0] =	vst v10  }
0x13c: {  	v7 =	vld.idx.msk [tilespmem:v7+s18+$0x0], $0xffff;
	[tilespmem:s1+$0x0] =	vst v11  }
0x13d: {  	v9 =	vld.idx.msk [tilespmem:v9+s18+$0x0], $0xffff;
	_ =	sdelay $0x1  }
0x13e: {  	s10 =	sor.u32 $0x3200, s11  }
0x13f: {  	s13 =	sor.u32 s9, s10  }
0x140: {  	s1 =	sor.u32 s31, s10;
	[tilespmem:s13+$0x0] =	vst v7  }
0x141: {  	v7 =	vld [tilespmem:s8+$0x280];
	[tilespmem:s1+$0x0] =	vst v9  }
0x142: {  	v9 =	vld [tilespmem:s30+$0x280];
	_ =	sdelay $0x2  }
0x143: {  	[tilespmem:s4+$0x1280] =	vst v8  }
0x144: {  	v8 =	vld.idx.msk [tilespmem:v5+s12+$0x0], $0xffff  }
0x145: {  	v33 =	vld.idx.msk [tilespmem:v4+s19+$0x0], $0xffff;
	_ =	sdelay $0x1  }
0x146: {  	s16 =	sor.u32 $0x2280, s24;
	v10 =	vld.idx.msk [tilespmem:v7+s19+$0x0], $0xffff  }
0x147: {  	s17 =	sor.u32 s0, s16;
	v12 =	vld.idx.msk [tilespmem:v9+s19+$0x0], $0xffff  }
0x148: {  	[tilespmem:s17+$0x0] =	vst v8  }
0x149: {  	[tilespmem:s5+$0x1280] =	vst v33;
	v34 =	vld.idx.msk [tilespmem:v5+s18+$0x0], $0xffff  }
0x14a: {  	v11 =	vld.idx.msk [tilespmem:v4+s12+$0x0], $0xffff  }
0x14b: {  	[tilespmem:s8+$0x1280] =	vst v10  }
0x14c: {  	s10 =	sor.u32 $0x3280, s24;
	v10 =	vld.idx.msk [tilespmem:v7+s12+$0x0], $0xffff;
	[tilespmem:s30+$0x1280] =	vst v12  }
0x14d: {  	s1 =	sor.u32 s23, s16;
	s16 =	sor.u32 s0, s10;
	v12 =	vld.idx.msk [tilespmem:v9+s12+$0x0], $0xffff  }
0x14e: {  	[tilespmem:s16+$0x0] =	vst v34  }
0x14f: {  	s20 =	sor.u32 $0x2280, s11;
	[tilespmem:s1+$0x0] =	vst v11;
	v5 =	vld [tilespmem:s4+$0x300]  }
0x150: {  	s29 =	sor.u32 s9, s20;
	v35 =	vld.idx.msk [tilespmem:v4+s18+$0x0], $0xffff  }
0x151: {  	s3 =	sor.u32 s31, s20;
	[tilespmem:s29+$0x0] =	vst v10  }
0x152: {  	v7 =	vld.idx.msk [tilespmem:v7+s18+$0x0], $0xffff;
	[tilespmem:s3+$0x0] =	vst v12  }
0x153: {  	v36 =	vld.idx.msk [tilespmem:v9+s18+$0x0], $0xffff  }
0x154: {  	s1 =	sor.u32 s23, s10  }
0x155: {  	s17 =	sor.u32 $0x3280, s11;
	[tilespmem:s1+$0x0] =	vst v35  }
0x156: {  	s20 =	sor.u32 s9, s17;
	v38 =	vld [tilespmem:s5+$0x300]  }
0x157: {  	s13 =	smov.u32 s23;
	s23 =	sor.u32 s31, s17;
	v39 =	vld.idx.msk [tilespmem:v5+s19+$0x0], $0xffff;
	[tilespmem:s20+$0x0] =	vst v7  }
0x158: {  	v37 =	vld [tilespmem:s8+$0x300];
	[tilespmem:s23+$0x0] =	vst v36  }
0x159: {  	v8 =	vld [tilespmem:s30+$0x300];
	_ =	sdelay $0x4  }
0x15a: {  	[tilespmem:s4+$0x1300] =	vst v39;
	v11 =	vld.idx.msk [tilespmem:v38+s19+$0x0], $0xffff  }
0x15b: {  	v9 =	vld.idx.msk [tilespmem:v5+s12+$0x0], $0xffff  }
0x15c: {  	v10 =	vld.idx.msk [tilespmem:v37+s19+$0x0], $0xffff  }
0x15d: {  	v12 =	vld.idx.msk [tilespmem:v8+s19+$0x0], $0xffff  }
0x15e: {  	[tilespmem:s7+$0x0] =	vst v6;
	s29 =	sor.u32 $0x2300, s24  }
0x15f: {  	s3 =	sor.u32 s0, s29;
	[tilespmem:s5+$0x1300] =	vst v11  }
0x160: {  	v11 =	vld.idx.msk [tilespmem:v38+s12+$0x0], $0xffff;
	[tilespmem:s3+$0x0] =	vst v9  }
0x161: {  	v40 =	vld.idx.msk [tilespmem:v2+s12+$0x0], $0xffff;
	[tilespmem:s8+$0x1300] =	vst v10  }
0x162: {  	v10 =	vld.idx.msk [tilespmem:v37+s12+$0x0], $0xffff;
	[tilespmem:s30+$0x1300] =	vst v12  }
0x163: {  	s25 =	smov.u32 s9;
	s1 =	sor.u32 $0x2380, s21;
	v12 =	vld.idx.msk [tilespmem:v8+s12+$0x0], $0xffff;
	s3 =	rddreg [dreg:$0x8]  }
0x164: {  	s4 =	sor.u32 $0x2300, s11;
	s2 =	sor.u32 s13, s29;
	v5 =	vld.idx.msk [tilespmem:v5+s18+$0x0], $0xffff;
	s3 =	sadd.s32 $0x1, s3  }
0x165: {  	s7 =	sor.u32 s9, s4;
	s8 =	sor.u32 s22, s1;
	[tilespmem:s2+$0x0] =	vst v11;
	s9 =	sand.u32 $0x3, s3  }
0x166: {  	s23 =	smov.u32 s0;
	[tilespmem:s8+$0x0] =	vst v40;
	s10 =	sshll.u32 s9, $0x5  }
0x167: {  	v1 =	vld.idx.msk [tilespmem:v1+s18+$0x0], $0xffff;
	s0 =	sor.u32 s31, s4;
	[tilespmem:s7+$0x0] =	vst v10;
	s7 =	sadd.s32 s10, s15;
	s15 =	sor.u32 $0x3300, s24  }
0x168: {  	v4 =	vld.idx.msk [tilespmem:v37+s18+$0x0], $0xffff;
	s3 =	sadd.s32 $0x1, s3;
	[tilespmem:s0+$0x0] =	vst v12;
	s17 =	sor.u32 s23, s15  }
0x169: {  	v41 =	vld.idx.msk [tilespmem:v38+s18+$0x0], $0xffff;
	s16 =	sand.u32 $0x3, s3;
	[tilespmem:s17+$0x0] =	vst v5  }
0x16a: {  	s2 =	sshll.u32 s16, $0x5;
	s0 =	sadd.s32 $0x10, s7;
	v42 =	vld.idx.msk [tilespmem:v8+s18+$0x0], $0xffff;
	s4 =	rddreg [dreg:$0x9]  }
0x16b: {  	s29 =	sor.u32 $0x3300, s11;
	v43 =	vld.idx.msk [tilespmem:v2+s18+$0x0], $0xffff;
	s3 =	sor.u32 $0x300, s0;
	s20 =	sadd.s32 s2, s4  }
0x16c: {  	s10 =	sor.u32 s25, s29;
	[tilespmem:s14+$0x0] =	vst v1;
	v44 =	vld [tilespmem:s3+$0x80];
	s2 =	sadd.s32 $0x10, s20  }
0x16d: {  	s8 =	sor.u32 s13, s15;
	[tilespmem:s10+$0x0] =	vst v4;
	v45 =	vld [tilespmem:s26+$0x80];
	s30 =	sor.u32 $0x300, s2  }
0x16e: {  	s7 =	sor.u32 $0x300, s7;
	[tilespmem:s8+$0x0] =	vst v41;
	s14 =	sor.u32 s31, s29;
	s8 =	sor.u32 $0x3380, s21;
	v46 =	vld [tilespmem:s30+$0x80]  }
0x16f: {  	v6 =	vld [tilespmem:s7+$0x80];
	s15 =	sor.u32 s22, s8;
	s5 =	sor.u32 $0x300, s20;
	[tilespmem:s14+$0x0] =	vst v42  }
0x170: {  	[tilespmem:s15+$0x0] =	vst v43;
	v7 =	vld [tilespmem:s5+$0x80]  }
0x171: {  	s16 =	rddreg [dreg:$0xb]  }
0x172: {  	s17 =	sor.u32 $0x380, s16  }
0x173: {  	v2 =	vld [tilespmem:s17+$0x80]  }
0x174: {  	v47 =	vld.idx.msk [tilespmem:v44+s19+$0x0], $0xffff  }
0x175: {  	v48 =	vld.idx.msk [tilespmem:v45+s19+$0x0], $0xffff  }
0x176: {  	v10 =	vld.idx.msk [tilespmem:v46+s19+$0x0], $0xffff  }
0x177: {  	v11 =	vld.idx.msk [tilespmem:v6+s19+$0x0], $0xffff  }
0x178: {  	v12 =	vld.idx.msk [tilespmem:v7+s19+$0x0], $0xffff  }
0x179: {  	[tilespmem:s3+$0x1080] =	vst v47  }
0x17a: {  	[tilespmem:s26+$0x1080] =	vst v48;
	v8 =	vld.idx.msk [tilespmem:v44+s12+$0x0], $0xffff  }
0x17b: {  	v9 =	vld.idx.msk [tilespmem:v45+s12+$0x0], $0xffff;
	[tilespmem:s30+$0x1080] =	vst v10  }
0x17c: {  	[tilespmem:s7+$0x1080] =	vst v11;
	v10 =	vld.idx.msk [tilespmem:v46+s12+$0x0], $0xffff  }
0x17d: {  	s20 =	sor.u32 $0x2380, s24;
	v11 =	vld.idx.msk [tilespmem:v6+s12+$0x0], $0xffff;
	[tilespmem:s5+$0x1080] =	vst v12  }
0x17e: {  	s26 =	sor.u32 s23, s20;
	v12 =	vld.idx.msk [tilespmem:v7+s12+$0x0], $0xffff  }
0x17f: {  	s1 =	sor.u32 s6, s1;
	s29 =	sor.u32 $0x2380, s11;
	v49 =	vld.idx.msk [tilespmem:v2+s19+$0x0], $0xffff;
	[tilespmem:s26+$0x0] =	vst v8  }
0x180: {  	s30 =	sor.u32 s25, s29;
	[tilespmem:s1+$0x0] =	vst v9;
	v1 =	vld.idx.msk [tilespmem:v44+s18+$0x0], $0xffff  }
0x181: {  	s4 =	sor.u32 s13, s20;
	v4 =	vld.idx.msk [tilespmem:v45+s18+$0x0], $0xffff;
	[tilespmem:s30+$0x0] =	vst v10  }
0x182: {  	s7 =	sor.u32 s31, s29;
	[tilespmem:s4+$0x0] =	vst v11;
	v5 =	vld.idx.msk [tilespmem:v46+s18+$0x0], $0xffff  }
0x183: {  	s10 =	sor.u32 $0x3380, s24;
	v6 =	vld.idx.msk [tilespmem:v6+s18+$0x0], $0xffff;
	[tilespmem:s7+$0x0] =	vst v12  }
0x184: {  	s14 =	sor.u32 s23, s10;
	[tilespmem:s17+$0x1080] =	vst v49;
	v7 =	vld.idx.msk [tilespmem:v7+s18+$0x0], $0xffff  }
0x185: {  	s0 =	sor.u32 $0x380, s0;
	s15 =	sor.u32 s6, s8;
	s16 =	sor.u32 $0x3380, s11;
	[tilespmem:s14+$0x0] =	vst v1  }
0x186: {  	s17 =	sor.u32 s25, s16;
	[tilespmem:s15+$0x0] =	vst v4;
	v1 =	vld [tilespmem:s0+$0x80]  }
0x187: {  	s2 =	sor.u32 $0x380, s2;
	s1 =	sor.u32 s13, s10;
	v8 =	vld.idx.msk [tilespmem:v2+s12+$0x0], $0xffff;
	[tilespmem:s17+$0x0] =	vst v5  }
0x188: {  	s20 =	sor.u32 s31, s16;
	s7 =	rddreg [dreg:$0x7];
	[tilespmem:s1+$0x0] =	vst v6;
	v5 =	vld [tilespmem:s2+$0x80]  }
0x189: {  	[tilespmem:s20+$0x0] =	vst v7;
	v4 =	vld [tilespmem:s7+$0x80]  }
0x18a: {  	v6 =	vld [tilespmem:s28+$0x80];
	s5 =	rddreg [dreg:$0x6]  }
0x18b: {  	v7 =	vld [tilespmem:s5+$0x80]  }
0x18c: {  	s26 =	sadd.s32 $0x2400, s21  }
0x18d: {  	s29 =	sor.u32 s22, s26  }
0x18e: {  	[tilespmem:s29+$0x0] =	vst v8;
	v50 =	vld.idx.msk [tilespmem:v1+s19+$0x0], $0xffff  }
0x18f: {  	v2 =	vld.idx.msk [tilespmem:v2+s18+$0x0], $0xffff  }
0x190: {  	v10 =	vld.idx.msk [tilespmem:v5+s19+$0x0], $0xffff  }
0x191: {  	s8 =	rddreg [dreg:$0x4];
	v9 =	vld.idx.msk [tilespmem:v4+s19+$0x0], $0xffff  }
0x192: {  	s30 =	sadd.s32 $0x3400, s21;
	[tilespmem:s8+$0x1080] =	vst v3;
	v51 =	vld.idx.msk [tilespmem:v6+s19+$0x0], $0xffff  }
0x193: {  	s9 =	sor.u32 s22, s30;
	[tilespmem:s0+$0x1080] =	vst v50;
	v52 =	vld.idx.msk [tilespmem:v7+s19+$0x0], $0xffff  }
0x194: {  	[tilespmem:s9+$0x0] =	vst v2;
	v54 =	vld.idx.msk [tilespmem:v1+s12+$0x0], $0xffff  }
0x195: {  	v53 =	vld.idx.msk [tilespmem:v0+s12+$0x0], $0xffff;
	[tilespmem:s2+$0x1080] =	vst v10  }
0x196: {  	[tilespmem:s7+$0x1080] =	vst v9;
	v56 =	vld.idx.msk [tilespmem:v5+s12+$0x0], $0xffff  }
0x197: {  	s10 =	sadd.s32 $0x2400, s24;
	[tilespmem:s28+$0x1080] =	vst v51;
	v55 =	vld.idx.msk [tilespmem:v4+s12+$0x0], $0xffff  }
0x198: {  	s14 =	sor.u32 s23, s10;
	[tilespmem:s5+$0x1080] =	vst v52;
	v57 =	vld.idx.msk [tilespmem:v6+s12+$0x0], $0xffff  }
0x199: {  	s15 =	sadd.s32 $0x2400, s11;
	s2 =	rddreg [dreg:$0x5];
	v58 =	vld.idx.msk [tilespmem:v7+s12+$0x0], $0xffff;
	[tilespmem:s14+$0x0] =	vst v54  }
0x19a: {  	s16 =	sor.u32 s25, s15;
	[tilespmem:s2+$0x0] =	vst v53;
	v1 =	vld.idx.msk [tilespmem:v1+s18+$0x0], $0xffff  }
0x19b: {  	s1 =	sor.u32 s6, s26;
	v59 =	vld.idx.msk [tilespmem:v0+s18+$0x0], $0xffff;
	[tilespmem:s16+$0x0] =	vst v56  }
0x19c: {  	s0 =	sor.u32 s13, s10;
	[tilespmem:s1+$0x0] =	vst v55;
	v61 =	vld.idx.msk [tilespmem:v5+s18+$0x0], $0xffff  }
0x19d: {  	s17 =	sor.u32 s31, s15;
	s20 =	sadd.s32 $0x3400, s24;
	[tilespmem:s0+$0x0] =	vst v57;
	v60 =	vld.idx.msk [tilespmem:v4+s18+$0x0], $0xffff  }
0x19e: {  	s21 =	sor.u32 s23, s20;
	[tilespmem:s17+$0x0] =	vst v58;
	v62 =	vld.idx.msk [tilespmem:v6+s18+$0x0], $0xffff  }
0x19f: {  	s23 =	sadd.s32 $0x3400, s11;
	s1 =	rddreg [dreg:$0xa];
	v63 =	vld.idx.msk [tilespmem:v7+s18+$0x0], $0xffff;
	[tilespmem:s21+$0x0] =	vst v1  }
0x1a0: {  	s24 =	sor.u32 s25, s23;
	[tilespmem:s1+$0x0] =	vst v59  }
0x1a1: {  	s22 =	sor.u32 s6, s30;
	[tilespmem:s24+$0x0] =	vst v61  }
0x1a2: {  	s0 =	sor.u32 s13, s20;
	[tilespmem:s22+$0x0] =	vst v60  }
0x1a3: {  	s1 =	sor.u32 s31, s23;
	[tilespmem:s0+$0x0] =	vst v62  }
0x1a4: {  	s25 =	rddreg [dreg:$0x2];
	[tilespmem:s1+$0x0] =	vst v63  }
0x1a5: {  	s1 =	rddreg [dreg:$0x18]  }
0x1a6: {  	s3 =	simm.s32 $0x1;
	s26 =	simm.s32 $0x1080;
	s0 =	sadd.s32 s25, s1  }
0x1a7: {  	[hbm4b:s0+s19] =	stream.linear.scatter [tilespmem:s26], [sflag:$0x1], $0x1000, $0x38;
	[tilespmem:$0x4080] =	vst v63  }
0x1a8: {  	_ =	swait.ge [sflag:s3], $0x1000  }
0x1a9: {  	[sflag:s3] =	ssyncset.done $0x0  }
0x1aa: {  	s29 =	simm.s32 $0x2080;
	s28 =	sadd.s32 $0x64000, s0;
	[sflag:s3] =	ssyncadd.s32 $0xFFFFF000  }
0x1ab: {  	[hbm4b:s28+s19] =	stream.linear.scatter [tilespmem:s29], [sflag:$0x1], $0x1000, $0x38;
	[tilespmem:$0x4080] =	vst v63  }
0x1ac: {  	_ =	swait.ge [sflag:s3], $0x1000  }
0x1ad: {  	[sflag:s3] =	ssyncset.done $0x0  }
0x1ae: {  	s30 =	simm.s32 $0x3080;
	s0 =	sadd.s32 $0xC8000, s0;
	[sflag:s3] =	ssyncadd.s32 $0xFFFFF000  }
0x1af: {  	[hbm4b:s0+s19] =	stream.linear.scatter [tilespmem:s30], [sflag:$0x1], $0x1000, $0x38;
	[tilespmem:$0x4080] =	vst v63  }
0x1b0: {  	_ =	swait.ge [sflag:s3], $0x1000  }
0x1b1: {  	s31 =	rddreg [dreg:$0x17]  }
0x1b2: {  	s0 =	sadd.s32 $0x1, s31  }
0x1b3: {  	p0 =	sne.s32 s0, $0x19  }
.Ltmp1:
0x1b4: {  	_ = 	snop;
	(pc) =	sbr.rel @p0 .LBB2_2-.Ltmp1, $3  }
0x1b5: {  	_ =	sdelay $0x1  }
0x1b6: {  	[sflag:s3] =	ssyncset.done $0x0  }
0x1b7: {  	[sflag:s3] =	ssyncadd.s32 $0xFFFFF000  }
0x1b8: {  	s1 =	rddreg [dreg:$0x16]  }
0x1b9: {  	s0 =	rddreg [dreg:$0x15];
	s1 =	sadd.s32 $0x1, s1  }
0x1ba: {  	p0 =	sne.s32 s1, s0  }
.Ltmp2:
0x1bb: {  	_ = 	snop;
	(pc) =	sbr.rel @p0 .LBB2_1-.Ltmp2, $1  }
0x1bc: {  	_ =	sdelay $0x3  }
0x1bd: {  	_ =	sfence.sel $0x180000  }
0x1be: {  	[bflag:$0x0] =	sbarrier.arrive $0xFFFF  }
0x1bf: {  	_ =	strace $0x90000047  }
0x1c0: {  	s0 =	stileid.u32;
	[bflag:$0x2] =	sbarrier.arrive $0xFFFF  }
0x1c1: {  	p0 =	sne.s32 s0, $0x0;
	s0 =	rddreg [dreg:$0x3]  }
0x1c2: {  	s0 =	sadd.s32 @!p0 $0x100000, s0  }
0x1c3: {  	[sflag:s0] =	ssyncadd.tile.s32 @!p0 $0x1;
	_ =	shalt  }
.Lfunc_end2:
_tile_overlayer_lowered:
.L_overlay_start_2:
0x1c4: {  	(tag) =	ssettag $0x2  }
0x1c5: {  	s0 =	rddreg [dreg:$0x0];
	s2 =	stileid.u32  }
0x1c6: {  	s1 =	rddreg [dreg:$0x1];
	p0 =	sne.s32 s2, $0x0  }
0x1c7: {  	s3 =	rddreg [dreg:$0x2];
	[bflag:$0x3] =	sbarrier.arrive $0xFFFF;
	s2 =	simm.s32 @!p0 $0x1C01  }
0x1c8: {  	[timem:s3], [sflag:s2] =	dma.local @!p0 [hbm:s0], s1  }
0x1c9: {  	s0 =	simm.s32 @!p0 $0x1  }
0x1ca: {  	_ =	swait.ge @!p0 [sflag:s0], s1  }
0x1cb: {  	s1 =	ssub.s32 @!p0 $0x0, s1;
	[sflag:s0] =	ssyncset.done @!p0 $0x0  }
0x1cc: {  	[sflag:s0] =	ssyncadd.s32 @!p0 s1  }
0x1cd: {  	[bflag:$0x3] =	sbarrier.arrive $0xFFFF  }
0x1ce: {  	_ =	shalt  }

</sc_bundles>
